<compile_context>
chip_gen: v7x
topology: tpu7x:2x2x1
jax: 0.10.2.dev20260603
libtpu: 0.0.44.dev20260713+nightly
codegen_flags: <defaults>
</compile_context>

<pallas_src>
import jax
import jax.numpy as jnp
from jax import lax
from jax.experimental import pallas as pl
from jax.experimental.pallas import tpu as pltpu
from jax.experimental.pallas import tpu_sc as plsc

_MEM = 50000
_B = 4096
_DIMG = 3 * 32 * 32
_DLOG = 100
_NW = 32
_BPW = _B // _NW
_CH = 16
_JCH = 512


def _winner_body(idx_col_ref, idx_row_ref, w_ref):
    icol = idx_col_ref[...]
    w = jnp.full((_B, 1), -1, jnp.int32)
    for g in range(_B // _JCH):
        jrow = idx_row_ref[:, g * _JCH:(g + 1) * _JCH]
        jpos = g * _JCH + lax.broadcasted_iota(jnp.int32, (_B, _JCH), 1)
        cand = jnp.where(icol == jrow, jpos, -1)
        w = jnp.maximum(w, jnp.max(cand, axis=1, keepdims=True))
    w_ref[...] = w


_winner = pl.pallas_call(
    _winner_body,
    out_shape=jax.ShapeDtypeStruct((_B, 1), jnp.int32),
)


def _sc_scatter_body(img_out, la_out, mem_x, mem_la,
                     idx, w, idxv, wv, xbuf, lbuf, gsem, ssem):
    wid = lax.axis_index("s") * 2 + lax.axis_index("c")
    base = wid * _BPW
    for c in range(_BPW // _CH):
        off = base + c * _CH
        pltpu.sync_copy(idx.at[pl.ds(off, _CH)], idxv)
        pltpu.sync_copy(w.at[pl.ds(off, _CH)], wv)
        gx = pltpu.async_copy(mem_x.at[wv], xbuf, gsem)
        gl = pltpu.async_copy(mem_la.at[wv], lbuf, gsem)
        gx.wait()
        gl.wait()
        sx = pltpu.async_copy(xbuf, img_out.at[idxv], ssem)
        sl = pltpu.async_copy(lbuf, la_out.at[idxv], ssem)
        sx.wait()
        sl.wait()


_sc_scatter = pl.kernel(
    _sc_scatter_body,
    out_type=(),
    mesh=plsc.VectorSubcoreMesh(core_axis_name="c", subcore_axis_name="s"),
    scratch_types=[
        pltpu.VMEM((_CH,), jnp.int32),
        pltpu.VMEM((_CH,), jnp.int32),
        pltpu.VMEM((_CH, _DIMG), jnp.float32),
        pltpu.VMEM((_CH, 128), jnp.int32),
        pltpu.SemaphoreType.DMA,
        pltpu.SemaphoreType.DMA,
    ],
)


def _pack_la(logits, age):
    logits_i = lax.bitcast_convert_type(logits, jnp.int32)
    pad = jnp.zeros((logits.shape[0], 128 - _DLOG - 1), jnp.int32)
    return jnp.concatenate([logits_i, age.reshape(-1, 1), pad], axis=1)


def kernel(buffer_img, buffer_logits, buffer_age, mem_x, mem_logits, mem_age,
           mem_indices):
    w = _winner(mem_indices.reshape(_B, 1), mem_indices.reshape(1, _B))
    w = w.reshape(_B)
    la_buf = _pack_la(buffer_logits, buffer_age)
    la_mem = _pack_la(mem_logits, mem_age)
    img_ref = jax.new_ref(buffer_img.reshape(_MEM, _DIMG))
    la_ref = jax.new_ref(la_buf)
    _sc_scatter(img_ref, la_ref, mem_x.reshape(_B, _DIMG), la_mem,
                mem_indices, w)
    out_img = jax.freeze(img_ref).reshape(buffer_img.shape)
    la = jax.freeze(la_ref)
    out_logits = lax.bitcast_convert_type(la[:, :_DLOG], jnp.float32)
    out_age = la[:, _DLOG]
    return out_img, out_logits, out_age

# --- scband reference (transcript-rebuilt; emitter-appended) ---
"""Pipeline reference for scband-buffer-35167192220091 (READ-ONLY COPY).

The authoritative reference and input builder live on the scoring server;
editing this copy changes nothing except your own understanding.
"""

import jax, jax.numpy as jnp
import numpy as np

MEM_SIZE = 50000
N_CLASSES = 100
IMG_SHAPE = (3, 32, 32)
BATCH = 4096


def setup_inputs(seed: int = 0) -> dict:
    key = jax.random.key(seed)
    k1, k2, k3, k4 = jax.random.split(key, 4)
    # buffer state (registered buffers in the torch module, zero-initialized)
    buffer_img = jnp.zeros((MEM_SIZE,) + IMG_SHAPE, dtype=jnp.float32)
    buffer_logits = jnp.zeros((MEM_SIZE, N_CLASSES), dtype=jnp.float32)
    buffer_age = jnp.zeros((MEM_SIZE,), dtype=jnp.int32)
    # incoming batch of memory writes (GMED-edited samples)
    mem_x = jax.random.normal(k1, (BATCH,) + IMG_SHAPE, dtype=jnp.float32)
    mem_logits = jax.random.normal(k2, (BATCH, N_CLASSES), dtype=jnp.float32)
    mem_age = jax.random.randint(k3, (BATCH,), 0, 1000, dtype=jnp.int32)
    mem_indices = jax.random.randint(k4, (BATCH,), 0, MEM_SIZE, dtype=jnp.int32)
    return {
        "buffer_img": buffer_img,
        "buffer_logits": buffer_logits,
        "buffer_age": buffer_age,
        "mem_x": mem_x,
        "mem_logits": mem_logits,
        "mem_age": mem_age,
        "mem_indices": mem_indices,
    }


def reference(buffer_img, buffer_logits, buffer_age, mem_x, mem_logits, mem_age, mem_indices):
    # Faithful translation of Buffer.update_gmed:
    #   self.buffer_img[mem_indices] = mem_x
    #   self.buffer_logits[mem_indices] = mem_logits
    #   self.buffer_age[mem_indices] = mem_age
    new_img = buffer_img.at[mem_indices].set(mem_x)
    new_logits = buffer_logits.at[mem_indices].set(mem_logits)
    new_age = buffer_age.at[mem_indices].set(mem_age)
    return (new_img, new_logits, new_age)

if __name__ == "__main__":
    import jax
    _d = setup_inputs()
    print(jax.jit(kernel)(*tuple(_d.values())))

</pallas_src>

<mosaic_0001>
#map = affine_map<(d0, d1) -> (0, 0)>
#map1 = affine_map<(d0, d1) -> (0)>
module attributes {stable_mosaic.version = 14 : i64} {
  func.func @new_body(%arg0: i32, %arg1: i32, %arg2: memref<50000x3072xf32, #tpu.memory_space<hbm>>, %arg3: memref<50000x128xi32, #tpu.memory_space<hbm>>, %arg4: memref<4096x3072xf32, #tpu.memory_space<hbm>>, %arg5: memref<4096x128xi32, #tpu.memory_space<hbm>>, %arg6: memref<4096xi32, #tpu.memory_space<hbm>>, %arg7: memref<4096xi32, #tpu.memory_space<hbm>>, %arg8: memref<50000x3072xf32, #tpu.memory_space<hbm>>, %arg9: memref<50000x128xi32, #tpu.memory_space<hbm>>, %arg10: memref<16xi32, #tpu.memory_space<vmem>>, %arg11: memref<16xi32, #tpu.memory_space<vmem>>, %arg12: memref<16x3072xf32, #tpu.memory_space<vmem>>, %arg13: memref<16x128xi32, #tpu.memory_space<vmem>>, %arg14: memref<!tpu.dma_semaphore, #tpu.memory_space<semaphore_mem>>, %arg15: memref<!tpu.dma_semaphore, #tpu.memory_space<semaphore_mem>>) attributes {dimension_semantics = [#tpu.dimension_semantics<core_parallel>, #tpu.dimension_semantics<subcore_parallel>], iteration_bounds = array<i64: 2, 16>, scalar_prefetch = 0 : i64, scratch_operands = 6 : i64, tpu.core_type = #tpu.core_type<sc_vector_subcore>, window_params = [{transform_indices = #map}, {transform_indices = #map}, {transform_indices = #map}, {transform_indices = #map}, {transform_indices = #map1}, {transform_indices = #map1}, {transform_indices = #map}, {transform_indices = #map}]} {
    %mul3A = arith.constant 2 : i32
    %mul3A_0 = arith.muli %arg1, %mul3A : i32
    %add3A = arith.addi %mul3A_0, %arg0 : i32
    %mul3A_1 = arith.constant 128 : i32
    %mul3A_2 = arith.muli %add3A, %mul3A_1 : i32
    %add3A_3 = arith.constant 0 : i32
    %add3A_4 = arith.addi %mul3A_2, %add3A_3 : i32
    "tpu.region"() ({
      %run_scoped3A = tpu.sem_alloc : memref<!tpu.dma_semaphore, #tpu.memory_space<semaphore_mem>>
      %dma_start3A_209 = tpu.memref_slice %arg6[%add3A_4] : memref<4096xi32, #tpu.memory_space<hbm>> -> memref<16xi32, #tpu.memory_space<hbm>>
      %dma_start3A_210 = tpu.memref_slice %arg6[%add3A_4] : memref<4096xi32, #tpu.memory_space<hbm>> -> memref<16xi32, #tpu.memory_space<hbm>>
      tpu.enqueue_dma source(%dma_start3A_210 : memref<16xi32, #tpu.memory_space<hbm>>) target(%arg10 : memref<16xi32, #tpu.memory_space<vmem>>) target_semaphore(%run_scoped3A : memref<!tpu.dma_semaphore, #tpu.memory_space<semaphore_mem>>)
      %dma_wait3A_211 = tpu.memref_slice %arg6[%add3A_4] : memref<4096xi32, #tpu.memory_space<hbm>> -> memref<16xi32, #tpu.memory_space<hbm>>
      %dma_wait3A_212 = tpu.memref_slice %arg6[%add3A_4] : memref<4096xi32, #tpu.memory_space<hbm>> -> memref<16xi32, #tpu.memory_space<hbm>>
      tpu.wait_dma2 semaphore(%run_scoped3A : memref<!tpu.dma_semaphore, #tpu.memory_space<semaphore_mem>>) src(%dma_wait3A_212 : memref<16xi32, #tpu.memory_space<hbm>>) dst(%arg10 : memref<16xi32, #tpu.memory_space<vmem>>)
      tpu.yield
    }) : () -> ()
    "tpu.region"() ({
      %run_scoped3A = tpu.sem_alloc : memref<!tpu.dma_semaphore, #tpu.memory_space<semaphore_mem>>
      %dma_start3A_209 = tpu.memref_slice %arg7[%add3A_4] : memref<4096xi32, #tpu.memory_space<hbm>> -> memref<16xi32, #tpu.memory_space<hbm>>
      %dma_start3A_210 = tpu.memref_slice %arg7[%add3A_4] : memref<4096xi32, #tpu.memory_space<hbm>> -> memref<16xi32, #tpu.memory_space<hbm>>
      tpu.enqueue_dma source(%dma_start3A_210 : memref<16xi32, #tpu.memory_space<hbm>>) target(%arg11 : memref<16xi32, #tpu.memory_space<vmem>>) target_semaphore(%run_scoped3A : memref<!tpu.dma_semaphore, #tpu.memory_space<semaphore_mem>>)
      %dma_wait3A_211 = tpu.memref_slice %arg7[%add3A_4] : memref<4096xi32, #tpu.memory_space<hbm>> -> memref<16xi32, #tpu.memory_space<hbm>>
      %dma_wait3A_212 = tpu.memref_slice %arg7[%add3A_4] : memref<4096xi32, #tpu.memory_space<hbm>> -> memref<16xi32, #tpu.memory_space<hbm>>
      tpu.wait_dma2 semaphore(%run_scoped3A : memref<!tpu.dma_semaphore, #tpu.memory_space<semaphore_mem>>) src(%dma_wait3A_212 : memref<16xi32, #tpu.memory_space<hbm>>) dst(%arg11 : memref<16xi32, #tpu.memory_space<vmem>>)
      tpu.yield
    }) : () -> ()
    %dma_start3A = arith.constant 0 : i32
    %dma_start3A_5 = arith.constant 0 : i32
    %dma_start3A_6 = tpu.memref_slice %arg4[%dma_start3A, %dma_start3A_5] : memref<4096x3072xf32, #tpu.memory_space<hbm>> -> memref<4096x3072xf32, #tpu.memory_space<hbm>>
    tpu.enqueue_indirect_dma source(%dma_start3A_6 : memref<4096x3072xf32, #tpu.memory_space<hbm>>) target(%arg12 : memref<16x3072xf32, #tpu.memory_space<vmem>>) offsets(%arg11 : memref<16xi32, #tpu.memory_space<vmem>>) semaphore(%arg14 : memref<!tpu.dma_semaphore, #tpu.memory_space<semaphore_mem>>)
    %dma_start3A_7 = arith.constant 0 : i32
    %dma_start3A_8 = arith.constant 0 : i32
    %dma_start3A_9 = tpu.memref_slice %arg5[%dma_start3A_7, %dma_start3A_8] : memref<4096x128xi32, #tpu.memory_space<hbm>> -> memref<4096x128xi32, #tpu.memory_space<hbm>>
    tpu.enqueue_indirect_dma source(%dma_start3A_9 : memref<4096x128xi32, #tpu.memory_space<hbm>>) target(%arg13 : memref<16x128xi32, #tpu.memory_space<vmem>>) offsets(%arg11 : memref<16xi32, #tpu.memory_space<vmem>>) semaphore(%arg14 : memref<!tpu.dma_semaphore, #tpu.memory_space<semaphore_mem>>)
    %dma_wait3A = arith.constant 0 : i32
    %dma_wait3A_10 = arith.constant 0 : i32
    %dma_wait3A_11 = tpu.memref_slice %arg4[%dma_wait3A, %dma_wait3A_10] : memref<4096x3072xf32, #tpu.memory_space<hbm>> -> memref<4096x3072xf32, #tpu.memory_space<hbm>>
    tpu.wait_indirect_dma semaphore(%arg14 : memref<!tpu.dma_semaphore, #tpu.memory_space<semaphore_mem>>) src(%dma_wait3A_11 : memref<4096x3072xf32, #tpu.memory_space<hbm>>) dst(%arg12 : memref<16x3072xf32, #tpu.memory_space<vmem>>)
    %dma_wait3A_12 = arith.constant 0 : i32
    %dma_wait3A_13 = arith.constant 0 : i32
    %dma_wait3A_14 = tpu.memref_slice %arg5[%dma_wait3A_12, %dma_wait3A_13] : memref<4096x128xi32, #tpu.memory_space<hbm>> -> memref<4096x128xi32, #tpu.memory_space<hbm>>
    tpu.wait_indirect_dma semaphore(%arg14 : memref<!tpu.dma_semaphore, #tpu.memory_space<semaphore_mem>>) src(%dma_wait3A_14 : memref<4096x128xi32, #tpu.memory_space<hbm>>) dst(%arg13 : memref<16x128xi32, #tpu.memory_space<vmem>>)
    %dma_start3A_15 = arith.constant 0 : i32
    %dma_start3A_16 = arith.constant 0 : i32
    %dma_start3A_17 = tpu.memref_slice %arg2[%dma_start3A_15, %dma_start3A_16] : memref<50000x3072xf32, #tpu.memory_space<hbm>> -> memref<50000x3072xf32, #tpu.memory_space<hbm>>
    tpu.enqueue_indirect_dma source(%arg12 : memref<16x3072xf32, #tpu.memory_space<vmem>>) target(%dma_start3A_17 : memref<50000x3072xf32, #tpu.memory_space<hbm>>) offsets(%arg10 : memref<16xi32, #tpu.memory_space<vmem>>) semaphore(%arg15 : memref<!tpu.dma_semaphore, #tpu.memory_space<semaphore_mem>>)
    %dma_start3A_18 = arith.constant 0 : i32
    %dma_start3A_19 = arith.constant 0 : i32
    %dma_start3A_20 = tpu.memref_slice %arg3[%dma_start3A_18, %dma_start3A_19] : memref<50000x128xi32, #tpu.memory_space<hbm>> -> memref<50000x128xi32, #tpu.memory_space<hbm>>
    tpu.enqueue_indirect_dma source(%arg13 : memref<16x128xi32, #tpu.memory_space<vmem>>) target(%dma_start3A_20 : memref<50000x128xi32, #tpu.memory_space<hbm>>) offsets(%arg10 : memref<16xi32, #tpu.memory_space<vmem>>) semaphore(%arg15 : memref<!tpu.dma_semaphore, #tpu.memory_space<semaphore_mem>>)
    %dma_wait3A_21 = arith.constant 0 : i32
    %dma_wait3A_22 = arith.constant 0 : i32
    %dma_wait3A_23 = tpu.memref_slice %arg2[%dma_wait3A_21, %dma_wait3A_22] : memref<50000x3072xf32, #tpu.memory_space<hbm>> -> memref<50000x3072xf32, #tpu.memory_space<hbm>>
    tpu.wait_indirect_dma semaphore(%arg15 : memref<!tpu.dma_semaphore, #tpu.memory_space<semaphore_mem>>) src(%arg12 : memref<16x3072xf32, #tpu.memory_space<vmem>>) dst(%dma_wait3A_23 : memref<50000x3072xf32, #tpu.memory_space<hbm>>)
    %dma_wait3A_24 = arith.constant 0 : i32
    %dma_wait3A_25 = arith.constant 0 : i32
    %dma_wait3A_26 = tpu.memref_slice %arg3[%dma_wait3A_24, %dma_wait3A_25] : memref<50000x128xi32, #tpu.memory_space<hbm>> -> memref<50000x128xi32, #tpu.memory_space<hbm>>
    tpu.wait_indirect_dma semaphore(%arg15 : memref<!tpu.dma_semaphore, #tpu.memory_space<semaphore_mem>>) src(%arg13 : memref<16x128xi32, #tpu.memory_space<vmem>>) dst(%dma_wait3A_26 : memref<50000x128xi32, #tpu.memory_space<hbm>>)
    %add3A_27 = arith.constant 16 : i32
    %add3A_28 = arith.addi %mul3A_2, %add3A_27 : i32
    "tpu.region"() ({
      %run_scoped3A = tpu.sem_alloc : memref<!tpu.dma_semaphore, #tpu.memory_space<semaphore_mem>>
      %dma_start3A_209 = tpu.memref_slice %arg6[%add3A_28] : memref<4096xi32, #tpu.memory_space<hbm>> -> memref<16xi32, #tpu.memory_space<hbm>>
      %dma_start3A_210 = tpu.memref_slice %arg6[%add3A_28] : memref<4096xi32, #tpu.memory_space<hbm>> -> memref<16xi32, #tpu.memory_space<hbm>>
      tpu.enqueue_dma source(%dma_start3A_210 : memref<16xi32, #tpu.memory_space<hbm>>) target(%arg10 : memref<16xi32, #tpu.memory_space<vmem>>) target_semaphore(%run_scoped3A : memref<!tpu.dma_semaphore, #tpu.memory_space<semaphore_mem>>)
      %dma_wait3A_211 = tpu.memref_slice %arg6[%add3A_28] : memref<4096xi32, #tpu.memory_space<hbm>> -> memref<16xi32, #tpu.memory_space<hbm>>
      %dma_wait3A_212 = tpu.memref_slice %arg6[%add3A_28] : memref<4096xi32, #tpu.memory_space<hbm>> -> memref<16xi32, #tpu.memory_space<hbm>>
      tpu.wait_dma2 semaphore(%run_scoped3A : memref<!tpu.dma_semaphore, #tpu.memory_space<semaphore_mem>>) src(%dma_wait3A_212 : memref<16xi32, #tpu.memory_space<hbm>>) dst(%arg10 : memref<16xi32, #tpu.memory_space<vmem>>)
      tpu.yield
    }) : () -> ()
    "tpu.region"() ({
      %run_scoped3A = tpu.sem_alloc : memref<!tpu.dma_semaphore, #tpu.memory_space<semaphore_mem>>
      %dma_start3A_209 = tpu.memref_slice %arg7[%add3A_28] : memref<4096xi32, #tpu.memory_space<hbm>> -> memref<16xi32, #tpu.memory_space<hbm>>
      %dma_start3A_210 = tpu.memref_slice %arg7[%add3A_28] : memref<4096xi32, #tpu.memory_space<hbm>> -> memref<16xi32, #tpu.memory_space<hbm>>
      tpu.enqueue_dma source(%dma_start3A_210 : memref<16xi32, #tpu.memory_space<hbm>>) target(%arg11 : memref<16xi32, #tpu.memory_space<vmem>>) target_semaphore(%run_scoped3A : memref<!tpu.dma_semaphore, #tpu.memory_space<semaphore_mem>>)
      %dma_wait3A_211 = tpu.memref_slice %arg7[%add3A_28] : memref<4096xi32, #tpu.memory_space<hbm>> -> memref<16xi32, #tpu.memory_space<hbm>>
      %dma_wait3A_212 = tpu.memref_slice %arg7[%add3A_28] : memref<4096xi32, #tpu.memory_space<hbm>> -> memref<16xi32, #tpu.memory_space<hbm>>
      tpu.wait_dma2 semaphore(%run_scoped3A : memref<!tpu.dma_semaphore, #tpu.memory_space<semaphore_mem>>) src(%dma_wait3A_212 : memref<16xi32, #tpu.memory_space<hbm>>) dst(%arg11 : memref<16xi32, #tpu.memory_space<vmem>>)
      tpu.yield
    }) : () -> ()
    %dma_start3A_29 = arith.constant 0 : i32
    %dma_start3A_30 = arith.constant 0 : i32
    %dma_start3A_31 = tpu.memref_slice %arg4[%dma_start3A_29, %dma_start3A_30] : memref<4096x3072xf32, #tpu.memory_space<hbm>> -> memref<4096x3072xf32, #tpu.memory_space<hbm>>
    tpu.enqueue_indirect_dma source(%dma_start3A_31 : memref<4096x3072xf32, #tpu.memory_space<hbm>>) target(%arg12 : memref<16x3072xf32, #tpu.memory_space<vmem>>) offsets(%arg11 : memref<16xi32, #tpu.memory_space<vmem>>) semaphore(%arg14 : memref<!tpu.dma_semaphore, #tpu.memory_space<semaphore_mem>>)
    %dma_start3A_32 = arith.constant 0 : i32
    %dma_start3A_33 = arith.constant 0 : i32
    %dma_start3A_34 = tpu.memref_slice %arg5[%dma_start3A_32, %dma_start3A_33] : memref<4096x128xi32, #tpu.memory_space<hbm>> -> memref<4096x128xi32, #tpu.memory_space<hbm>>
    tpu.enqueue_indirect_dma source(%dma_start3A_34 : memref<4096x128xi32, #tpu.memory_space<hbm>>) target(%arg13 : memref<16x128xi32, #tpu.memory_space<vmem>>) offsets(%arg11 : memref<16xi32, #tpu.memory_space<vmem>>) semaphore(%arg14 : memref<!tpu.dma_semaphore, #tpu.memory_space<semaphore_mem>>)
    %dma_wait3A_35 = arith.constant 0 : i32
    %dma_wait3A_36 = arith.constant 0 : i32
    %dma_wait3A_37 = tpu.memref_slice %arg4[%dma_wait3A_35, %dma_wait3A_36] : memref<4096x3072xf32, #tpu.memory_space<hbm>> -> memref<4096x3072xf32, #tpu.memory_space<hbm>>
    tpu.wait_indirect_dma semaphore(%arg14 : memref<!tpu.dma_semaphore, #tpu.memory_space<semaphore_mem>>) src(%dma_wait3A_37 : memref<4096x3072xf32, #tpu.memory_space<hbm>>) dst(%arg12 : memref<16x3072xf32, #tpu.memory_space<vmem>>)
    %dma_wait3A_38 = arith.constant 0 : i32
    %dma_wait3A_39 = arith.constant 0 : i32
    %dma_wait3A_40 = tpu.memref_slice %arg5[%dma_wait3A_38, %dma_wait3A_39] : memref<4096x128xi32, #tpu.memory_space<hbm>> -> memref<4096x128xi32, #tpu.memory_space<hbm>>
    tpu.wait_indirect_dma semaphore(%arg14 : memref<!tpu.dma_semaphore, #tpu.memory_space<semaphore_mem>>) src(%dma_wait3A_40 : memref<4096x128xi32, #tpu.memory_space<hbm>>) dst(%arg13 : memref<16x128xi32, #tpu.memory_space<vmem>>)
    %dma_start3A_41 = arith.constant 0 : i32
    %dma_start3A_42 = arith.constant 0 : i32
    %dma_start3A_43 = tpu.memref_slice %arg2[%dma_start3A_41, %dma_start3A_42] : memref<50000x3072xf32, #tpu.memory_space<hbm>> -> memref<50000x3072xf32, #tpu.memory_space<hbm>>
    tpu.enqueue_indirect_dma source(%arg12 : memref<16x3072xf32, #tpu.memory_space<vmem>>) target(%dma_start3A_43 : memref<50000x3072xf32, #tpu.memory_space<hbm>>) offsets(%arg10 : memref<16xi32, #tpu.memory_space<vmem>>) semaphore(%arg15 : memref<!tpu.dma_semaphore, #tpu.memory_space<semaphore_mem>>)
    %dma_start3A_44 = arith.constant 0 : i32
    %dma_start3A_45 = arith.constant 0 : i32
    %dma_start3A_46 = tpu.memref_slice %arg3[%dma_start3A_44, %dma_start3A_45] : memref<50000x128xi32, #tpu.memory_space<hbm>> -> memref<50000x128xi32, #tpu.memory_space<hbm>>
    tpu.enqueue_indirect_dma source(%arg13 : memref<16x128xi32, #tpu.memory_space<vmem>>) target(%dma_start3A_46 : memref<50000x128xi32, #tpu.memory_space<hbm>>) offsets(%arg10 : memref<16xi32, #tpu.memory_space<vmem>>) semaphore(%arg15 : memref<!tpu.dma_semaphore, #tpu.memory_space<semaphore_mem>>)
    %dma_wait3A_47 = arith.constant 0 : i32
    %dma_wait3A_48 = arith.constant 0 : i32
    %dma_wait3A_49 = tpu.memref_slice %arg2[%dma_wait3A_47, %dma_wait3A_48] : memref<50000x3072xf32, #tpu.memory_space<hbm>> -> memref<50000x3072xf32, #tpu.memory_space<hbm>>
    tpu.wait_indirect_dma semaphore(%arg15 : memref<!tpu.dma_semaphore, #tpu.memory_space<semaphore_mem>>) src(%arg12 : memref<16x3072xf32, #tpu.memory_space<vmem>>) dst(%dma_wait3A_49 : memref<50000x3072xf32, #tpu.memory_space<hbm>>)
    %dma_wait3A_50 = arith.constant 0 : i32
    %dma_wait3A_51 = arith.constant 0 : i32
    %dma_wait3A_52 = tpu.memref_slice %arg3[%dma_wait3A_50, %dma_wait3A_51] : memref<50000x128xi32, #tpu.memory_space<hbm>> -> memref<50000x128xi32, #tpu.memory_space<hbm>>
    tpu.wait_indirect_dma semaphore(%arg15 : memref<!tpu.dma_semaphore, #tpu.memory_space<semaphore_mem>>) src(%arg13 : memref<16x128xi32, #tpu.memory_space<vmem>>) dst(%dma_wait3A_52 : memref<50000x128xi32, #tpu.memory_space<hbm>>)
    %add3A_53 = arith.constant 32 : i32
    %add3A_54 = arith.addi %mul3A_2, %add3A_53 : i32
    "tpu.region"() ({
      %run_scoped3A = tpu.sem_alloc : memref<!tpu.dma_semaphore, #tpu.memory_space<semaphore_mem>>
      %dma_start3A_209 = tpu.memref_slice %arg6[%add3A_54] : memref<4096xi32, #tpu.memory_space<hbm>> -> memref<16xi32, #tpu.memory_space<hbm>>
      %dma_start3A_210 = tpu.memref_slice %arg6[%add3A_54] : memref<4096xi32, #tpu.memory_space<hbm>> -> memref<16xi32, #tpu.memory_space<hbm>>
      tpu.enqueue_dma source(%dma_start3A_210 : memref<16xi32, #tpu.memory_space<hbm>>) target(%arg10 : memref<16xi32, #tpu.memory_space<vmem>>) target_semaphore(%run_scoped3A : memref<!tpu.dma_semaphore, #tpu.memory_space<semaphore_mem>>)
      %dma_wait3A_211 = tpu.memref_slice %arg6[%add3A_54] : memref<4096xi32, #tpu.memory_space<hbm>> -> memref<16xi32, #tpu.memory_space<hbm>>
      %dma_wait3A_212 = tpu.memref_slice %arg6[%add3A_54] : memref<4096xi32, #tpu.memory_space<hbm>> -> memref<16xi32, #tpu.memory_space<hbm>>
      tpu.wait_dma2 semaphore(%run_scoped3A : memref<!tpu.dma_semaphore, #tpu.memory_space<semaphore_mem>>) src(%dma_wait3A_212 : memref<16xi32, #tpu.memory_space<hbm>>) dst(%arg10 : memref<16xi32, #tpu.memory_space<vmem>>)
      tpu.yield
    }) : () -> ()
    "tpu.region"() ({
      %run_scoped3A = tpu.sem_alloc : memref<!tpu.dma_semaphore, #tpu.memory_space<semaphore_mem>>
      %dma_start3A_209 = tpu.memref_slice %arg7[%add3A_54] : memref<4096xi32, #tpu.memory_space<hbm>> -> memref<16xi32, #tpu.memory_space<hbm>>
      %dma_start3A_210 = tpu.memref_slice %arg7[%add3A_54] : memref<4096xi32, #tpu.memory_space<hbm>> -> memref<16xi32, #tpu.memory_space<hbm>>
      tpu.enqueue_dma source(%dma_start3A_210 : memref<16xi32, #tpu.memory_space<hbm>>) target(%arg11 : memref<16xi32, #tpu.memory_space<vmem>>) target_semaphore(%run_scoped3A : memref<!tpu.dma_semaphore, #tpu.memory_space<semaphore_mem>>)
      %dma_wait3A_211 = tpu.memref_slice %arg7[%add3A_54] : memref<4096xi32, #tpu.memory_space<hbm>> -> memref<16xi32, #tpu.memory_space<hbm>>
      %dma_wait3A_212 = tpu.memref_slice %arg7[%add3A_54] : memref<4096xi32, #tpu.memory_space<hbm>> -> memref<16xi32, #tpu.memory_space<hbm>>
      tpu.wait_dma2 semaphore(%run_scoped3A : memref<!tpu.dma_semaphore, #tpu.memory_space<semaphore_mem>>) src(%dma_wait3A_212 : memref<16xi32, #tpu.memory_space<hbm>>) dst(%arg11 : memref<16xi32, #tpu.memory_space<vmem>>)
      tpu.yield
    }) : () -> ()
    %dma_start3A_55 = arith.constant 0 : i32
    %dma_start3A_56 = arith.constant 0 : i32
    %dma_start3A_57 = tpu.memref_slice %arg4[%dma_start3A_55, %dma_start3A_56] : memref<4096x3072xf32, #tpu.memory_space<hbm>> -> memref<4096x3072xf32, #tpu.memory_space<hbm>>
    tpu.enqueue_indirect_dma source(%dma_start3A_57 : memref<4096x3072xf32, #tpu.memory_space<hbm>>) target(%arg12 : memref<16x3072xf32, #tpu.memory_space<vmem>>) offsets(%arg11 : memref<16xi32, #tpu.memory_space<vmem>>) semaphore(%arg14 : memref<!tpu.dma_semaphore, #tpu.memory_space<semaphore_mem>>)
    %dma_start3A_58 = arith.constant 0 : i32
    %dma_start3A_59 = arith.constant 0 : i32
    %dma_start3A_60 = tpu.memref_slice %arg5[%dma_start3A_58, %dma_start3A_59] : memref<4096x128xi32, #tpu.memory_space<hbm>> -> memref<4096x128xi32, #tpu.memory_space<hbm>>
    tpu.enqueue_indirect_dma source(%dma_start3A_60 : memref<4096x128xi32, #tpu.memory_space<hbm>>) target(%arg13 : memref<16x128xi32, #tpu.memory_space<vmem>>) offsets(%arg11 : memref<16xi32, #tpu.memory_space<vmem>>) semaphore(%arg14 : memref<!tpu.dma_semaphore, #tpu.memory_space<semaphore_mem>>)
    %dma_wait3A_61 = arith.constant 0 : i32
    %dma_wait3A_62 = arith.constant 0 : i32
    %dma_wait3A_63 = tpu.memref_slice %arg4[%dma_wait3A_61, %dma_wait3A_62] : memref<4096x3072xf32, #tpu.memory_space<hbm>> -> memref<4096x3072xf32, #tpu.memory_space<hbm>>
    tpu.wait_indirect_dma semaphore(%arg14 : memref<!tpu.dma_semaphore, #tpu.memory_space<semaphore_mem>>) src(%dma_wait3A_63 : memref<4096x3072xf32, #tpu.memory_space<hbm>>) dst(%arg12 : memref<16x3072xf32, #tpu.memory_space<vmem>>)
    %dma_wait3A_64 = arith.constant 0 : i32
    %dma_wait3A_65 = arith.constant 0 : i32
    %dma_wait3A_66 = tpu.memref_slice %arg5[%dma_wait3A_64, %dma_wait3A_65] : memref<4096x128xi32, #tpu.memory_space<hbm>> -> memref<4096x128xi32, #tpu.memory_space<hbm>>
    tpu.wait_indirect_dma semaphore(%arg14 : memref<!tpu.dma_semaphore, #tpu.memory_space<semaphore_mem>>) src(%dma_wait3A_66 : memref<4096x128xi32, #tpu.memory_space<hbm>>) dst(%arg13 : memref<16x128xi32, #tpu.memory_space<vmem>>)
    %dma_start3A_67 = arith.constant 0 : i32
    %dma_start3A_68 = arith.constant 0 : i32
    %dma_start3A_69 = tpu.memref_slice %arg2[%dma_start3A_67, %dma_start3A_68] : memref<50000x3072xf32, #tpu.memory_space<hbm>> -> memref<50000x3072xf32, #tpu.memory_space<hbm>>
    tpu.enqueue_indirect_dma source(%arg12 : memref<16x3072xf32, #tpu.memory_space<vmem>>) target(%dma_start3A_69 : memref<50000x3072xf32, #tpu.memory_space<hbm>>) offsets(%arg10 : memref<16xi32, #tpu.memory_space<vmem>>) semaphore(%arg15 : memref<!tpu.dma_semaphore, #tpu.memory_space<semaphore_mem>>)
    %dma_start3A_70 = arith.constant 0 : i32
    %dma_start3A_71 = arith.constant 0 : i32
    %dma_start3A_72 = tpu.memref_slice %arg3[%dma_start3A_70, %dma_start3A_71] : memref<50000x128xi32, #tpu.memory_space<hbm>> -> memref<50000x128xi32, #tpu.memory_space<hbm>>
    tpu.enqueue_indirect_dma source(%arg13 : memref<16x128xi32, #tpu.memory_space<vmem>>) target(%dma_start3A_72 : memref<50000x128xi32, #tpu.memory_space<hbm>>) offsets(%arg10 : memref<16xi32, #tpu.memory_space<vmem>>) semaphore(%arg15 : memref<!tpu.dma_semaphore, #tpu.memory_space<semaphore_mem>>)
    %dma_wait3A_73 = arith.constant 0 : i32
    %dma_wait3A_74 = arith.constant 0 : i32
    %dma_wait3A_75 = tpu.memref_slice %arg2[%dma_wait3A_73, %dma_wait3A_74] : memref<50000x3072xf32, #tpu.memory_space<hbm>> -> memref<50000x3072xf32, #tpu.memory_space<hbm>>
    tpu.wait_indirect_dma semaphore(%arg15 : memref<!tpu.dma_semaphore, #tpu.memory_space<semaphore_mem>>) src(%arg12 : memref<16x3072xf32, #tpu.memory_space<vmem>>) dst(%dma_wait3A_75 : memref<50000x3072xf32, #tpu.memory_space<hbm>>)
    %dma_wait3A_76 = arith.constant 0 : i32
    %dma_wait3A_77 = arith.constant 0 : i32
    %dma_wait3A_78 = tpu.memref_slice %arg3[%dma_wait3A_76, %dma_wait3A_77] : memref<50000x128xi32, #tpu.memory_space<hbm>> -> memref<50000x128xi32, #tpu.memory_space<hbm>>
    tpu.wait_indirect_dma semaphore(%arg15 : memref<!tpu.dma_semaphore, #tpu.memory_space<semaphore_mem>>) src(%arg13 : memref<16x128xi32, #tpu.memory_space<vmem>>) dst(%dma_wait3A_78 : memref<50000x128xi32, #tpu.memory_space<hbm>>)
    %add3A_79 = arith.constant 48 : i32
    %add3A_80 = arith.addi %mul3A_2, %add3A_79 : i32
    "tpu.region"() ({
      %run_scoped3A = tpu.sem_alloc : memref<!tpu.dma_semaphore, #tpu.memory_space<semaphore_mem>>
      %dma_start3A_209 = tpu.memref_slice %arg6[%add3A_80] : memref<4096xi32, #tpu.memory_space<hbm>> -> memref<16xi32, #tpu.memory_space<hbm>>
      %dma_start3A_210 = tpu.memref_slice %arg6[%add3A_80] : memref<4096xi32, #tpu.memory_space<hbm>> -> memref<16xi32, #tpu.memory_space<hbm>>
      tpu.enqueue_dma source(%dma_start3A_210 : memref<16xi32, #tpu.memory_space<hbm>>) target(%arg10 : memref<16xi32, #tpu.memory_space<vmem>>) target_semaphore(%run_scoped3A : memref<!tpu.dma_semaphore, #tpu.memory_space<semaphore_mem>>)
      %dma_wait3A_211 = tpu.memref_slice %arg6[%add3A_80] : memref<4096xi32, #tpu.memory_space<hbm>> -> memref<16xi32, #tpu.memory_space<hbm>>
      %dma_wait3A_212 = tpu.memref_slice %arg6[%add3A_80] : memref<4096xi32, #tpu.memory_space<hbm>> -> memref<16xi32, #tpu.memory_space<hbm>>
      tpu.wait_dma2 semaphore(%run_scoped3A : memref<!tpu.dma_semaphore, #tpu.memory_space<semaphore_mem>>) src(%dma_wait3A_212 : memref<16xi32, #tpu.memory_space<hbm>>) dst(%arg10 : memref<16xi32, #tpu.memory_space<vmem>>)
      tpu.yield
    }) : () -> ()
    "tpu.region"() ({
      %run_scoped3A = tpu.sem_alloc : memref<!tpu.dma_semaphore, #tpu.memory_space<semaphore_mem>>
      %dma_start3A_209 = tpu.memref_slice %arg7[%add3A_80] : memref<4096xi32, #tpu.memory_space<hbm>> -> memref<16xi32, #tpu.memory_space<hbm>>
      %dma_start3A_210 = tpu.memref_slice %arg7[%add3A_80] : memref<4096xi32, #tpu.memory_space<hbm>> -> memref<16xi32, #tpu.memory_space<hbm>>
      tpu.enqueue_dma source(%dma_start3A_210 : memref<16xi32, #tpu.memory_space<hbm>>) target(%arg11 : memref<16xi32, #tpu.memory_space<vmem>>) target_semaphore(%run_scoped3A : memref<!tpu.dma_semaphore, #tpu.memory_space<semaphore_mem>>)
      %dma_wait3A_211 = tpu.memref_slice %arg7[%add3A_80] : memref<4096xi32, #tpu.memory_space<hbm>> -> memref<16xi32, #tpu.memory_space<hbm>>
      %dma_wait3A_212 = tpu.memref_slice %arg7[%add3A_80] : memref<4096xi32, #tpu.memory_space<hbm>> -> memref<16xi32, #tpu.memory_space<hbm>>
      tpu.wait_dma2 semaphore(%run_scoped3A : memref<!tpu.dma_semaphore, #tpu.memory_space<semaphore_mem>>) src(%dma_wait3A_212 : memref<16xi32, #tpu.memory_space<hbm>>) dst(%arg11 : memref<16xi32, #tpu.memory_space<vmem>>)
      tpu.yield
    }) : () -> ()
    %dma_start3A_81 = arith.constant 0 : i32
    %dma_start3A_82 = arith.constant 0 : i32
    %dma_start3A_83 = tpu.memref_slice %arg4[%dma_start3A_81, %dma_start3A_82] : memref<4096x3072xf32, #tpu.memory_space<hbm>> -> memref<4096x3072xf32, #tpu.memory_space<hbm>>
    tpu.enqueue_indirect_dma source(%dma_start3A_83 : memref<4096x3072xf32, #tpu.memory_space<hbm>>) target(%arg12 : memref<16x3072xf32, #tpu.memory_space<vmem>>) offsets(%arg11 : memref<16xi32, #tpu.memory_space<vmem>>) semaphore(%arg14 : memref<!tpu.dma_semaphore, #tpu.memory_space<semaphore_mem>>)
    %dma_start3A_84 = arith.constant 0 : i32
    %dma_start3A_85 = arith.constant 0 : i32
    %dma_start3A_86 = tpu.memref_slice %arg5[%dma_start3A_84, %dma_start3A_85] : memref<4096x128xi32, #tpu.memory_space<hbm>> -> memref<4096x128xi32, #tpu.memory_space<hbm>>
    tpu.enqueue_indirect_dma source(%dma_start3A_86 : memref<4096x128xi32, #tpu.memory_space<hbm>>) target(%arg13 : memref<16x128xi32, #tpu.memory_space<vmem>>) offsets(%arg11 : memref<16xi32, #tpu.memory_space<vmem>>) semaphore(%arg14 : memref<!tpu.dma_semaphore, #tpu.memory_space<semaphore_mem>>)
    %dma_wait3A_87 = arith.constant 0 : i32
    %dma_wait3A_88 = arith.constant 0 : i32
    %dma_wait3A_89 = tpu.memref_slice %arg4[%dma_wait3A_87, %dma_wait3A_88] : memref<4096x3072xf32, #tpu.memory_space<hbm>> -> memref<4096x3072xf32, #tpu.memory_space<hbm>>
    tpu.wait_indirect_dma semaphore(%arg14 : memref<!tpu.dma_semaphore, #tpu.memory_space<semaphore_mem>>) src(%dma_wait3A_89 : memref<4096x3072xf32, #tpu.memory_space<hbm>>) dst(%arg12 : memref<16x3072xf32, #tpu.memory_space<vmem>>)
    %dma_wait3A_90 = arith.constant 0 : i32
    %dma_wait3A_91 = arith.constant 0 : i32
    %dma_wait3A_92 = tpu.memref_slice %arg5[%dma_wait3A_90, %dma_wait3A_91] : memref<4096x128xi32, #tpu.memory_space<hbm>> -> memref<4096x128xi32, #tpu.memory_space<hbm>>
    tpu.wait_indirect_dma semaphore(%arg14 : memref<!tpu.dma_semaphore, #tpu.memory_space<semaphore_mem>>) src(%dma_wait3A_92 : memref<4096x128xi32, #tpu.memory_space<hbm>>) dst(%arg13 : memref<16x128xi32, #tpu.memory_space<vmem>>)
    %dma_start3A_93 = arith.constant 0 : i32
    %dma_start3A_94 = arith.constant 0 : i32
    %dma_start3A_95 = tpu.memref_slice %arg2[%dma_start3A_93, %dma_start3A_94] : memref<50000x3072xf32, #tpu.memory_space<hbm>> -> memref<50000x3072xf32, #tpu.memory_space<hbm>>
    tpu.enqueue_indirect_dma source(%arg12 : memref<16x3072xf32, #tpu.memory_space<vmem>>) target(%dma_start3A_95 : memref<50000x3072xf32, #tpu.memory_space<hbm>>) offsets(%arg10 : memref<16xi32, #tpu.memory_space<vmem>>) semaphore(%arg15 : memref<!tpu.dma_semaphore, #tpu.memory_space<semaphore_mem>>)
    %dma_start3A_96 = arith.constant 0 : i32
    %dma_start3A_97 = arith.constant 0 : i32
    %dma_start3A_98 = tpu.memref_slice %arg3[%dma_start3A_96, %dma_start3A_97] : memref<50000x128xi32, #tpu.memory_space<hbm>> -> memref<50000x128xi32, #tpu.memory_space<hbm>>
    tpu.enqueue_indirect_dma source(%arg13 : memref<16x128xi32, #tpu.memory_space<vmem>>) target(%dma_start3A_98 : memref<50000x128xi32, #tpu.memory_space<hbm>>) offsets(%arg10 : memref<16xi32, #tpu.memory_space<vmem>>) semaphore(%arg15 : memref<!tpu.dma_semaphore, #tpu.memory_space<semaphore_mem>>)
    %dma_wait3A_99 = arith.constant 0 : i32
    %dma_wait3A_100 = arith.constant 0 : i32
    %dma_wait3A_101 = tpu.memref_slice %arg2[%dma_wait3A_99, %dma_wait3A_100] : memref<50000x3072xf32, #tpu.memory_space<hbm>> -> memref<50000x3072xf32, #tpu.memory_space<hbm>>
    tpu.wait_indirect_dma semaphore(%arg15 : memref<!tpu.dma_semaphore, #tpu.memory_space<semaphore_mem>>) src(%arg12 : memref<16x3072xf32, #tpu.memory_space<vmem>>) dst(%dma_wait3A_101 : memref<50000x3072xf32, #tpu.memory_space<hbm>>)
    %dma_wait3A_102 = arith.constant 0 : i32
    %dma_wait3A_103 = arith.constant 0 : i32
    %dma_wait3A_104 = tpu.memref_slice %arg3[%dma_wait3A_102, %dma_wait3A_103] : memref<50000x128xi32, #tpu.memory_space<hbm>> -> memref<50000x128xi32, #tpu.memory_space<hbm>>
    tpu.wait_indirect_dma semaphore(%arg15 : memref<!tpu.dma_semaphore, #tpu.memory_space<semaphore_mem>>) src(%arg13 : memref<16x128xi32, #tpu.memory_space<vmem>>) dst(%dma_wait3A_104 : memref<50000x128xi32, #tpu.memory_space<hbm>>)
    %add3A_105 = arith.constant 64 : i32
    %add3A_106 = arith.addi %mul3A_2, %add3A_105 : i32
    "tpu.region"() ({
      %run_scoped3A = tpu.sem_alloc : memref<!tpu.dma_semaphore, #tpu.memory_space<semaphore_mem>>
      %dma_start3A_209 = tpu.memref_slice %arg6[%add3A_106] : memref<4096xi32, #tpu.memory_space<hbm>> -> memref<16xi32, #tpu.memory_space<hbm>>
      %dma_start3A_210 = tpu.memref_slice %arg6[%add3A_106] : memref<4096xi32, #tpu.memory_space<hbm>> -> memref<16xi32, #tpu.memory_space<hbm>>
      tpu.enqueue_dma source(%dma_start3A_210 : memref<16xi32, #tpu.memory_space<hbm>>) target(%arg10 : memref<16xi32, #tpu.memory_space<vmem>>) target_semaphore(%run_scoped3A : memref<!tpu.dma_semaphore, #tpu.memory_space<semaphore_mem>>)
      %dma_wait3A_211 = tpu.memref_slice %arg6[%add3A_106] : memref<4096xi32, #tpu.memory_space<hbm>> -> memref<16xi32, #tpu.memory_space<hbm>>
      %dma_wait3A_212 = tpu.memref_slice %arg6[%add3A_106] : memref<4096xi32, #tpu.memory_space<hbm>> -> memref<16xi32, #tpu.memory_space<hbm>>
      tpu.wait_dma2 semaphore(%run_scoped3A : memref<!tpu.dma_semaphore, #tpu.memory_space<semaphore_mem>>) src(%dma_wait3A_212 : memref<16xi32, #tpu.memory_space<hbm>>) dst(%arg10 : memref<16xi32, #tpu.memory_space<vmem>>)
      tpu.yield
    }) : () -> ()
    "tpu.region"() ({
      %run_scoped3A = tpu.sem_alloc : memref<!tpu.dma_semaphore, #tpu.memory_space<semaphore_mem>>
      %dma_start3A_209 = tpu.memref_slice %arg7[%add3A_106] : memref<4096xi32, #tpu.memory_space<hbm>> -> memref<16xi32, #tpu.memory_space<hbm>>
      %dma_start3A_210 = tpu.memref_slice %arg7[%add3A_106] : memref<4096xi32, #tpu.memory_space<hbm>> -> memref<16xi32, #tpu.memory_space<hbm>>
      tpu.enqueue_dma source(%dma_start3A_210 : memref<16xi32, #tpu.memory_space<hbm>>) target(%arg11 : memref<16xi32, #tpu.memory_space<vmem>>) target_semaphore(%run_scoped3A : memref<!tpu.dma_semaphore, #tpu.memory_space<semaphore_mem>>)
      %dma_wait3A_211 = tpu.memref_slice %arg7[%add3A_106] : memref<4096xi32, #tpu.memory_space<hbm>> -> memref<16xi32, #tpu.memory_space<hbm>>
      %dma_wait3A_212 = tpu.memref_slice %arg7[%add3A_106] : memref<4096xi32, #tpu.memory_space<hbm>> -> memref<16xi32, #tpu.memory_space<hbm>>
      tpu.wait_dma2 semaphore(%run_scoped3A : memref<!tpu.dma_semaphore, #tpu.memory_space<semaphore_mem>>) src(%dma_wait3A_212 : memref<16xi32, #tpu.memory_space<hbm>>) dst(%arg11 : memref<16xi32, #tpu.memory_space<vmem>>)
      tpu.yield
    }) : () -> ()
    %dma_start3A_107 = arith.constant 0 : i32
    %dma_start3A_108 = arith.constant 0 : i32
    %dma_start3A_109 = tpu.memref_slice %arg4[%dma_start3A_107, %dma_start3A_108] : memref<4096x3072xf32, #tpu.memory_space<hbm>> -> memref<4096x3072xf32, #tpu.memory_space<hbm>>
    tpu.enqueue_indirect_dma source(%dma_start3A_109 : memref<4096x3072xf32, #tpu.memory_space<hbm>>) target(%arg12 : memref<16x3072xf32, #tpu.memory_space<vmem>>) offsets(%arg11 : memref<16xi32, #tpu.memory_space<vmem>>) semaphore(%arg14 : memref<!tpu.dma_semaphore, #tpu.memory_space<semaphore_mem>>)
    %dma_start3A_110 = arith.constant 0 : i32
    %dma_start3A_111 = arith.constant 0 : i32
    %dma_start3A_112 = tpu.memref_slice %arg5[%dma_start3A_110, %dma_start3A_111] : memref<4096x128xi32, #tpu.memory_space<hbm>> -> memref<4096x128xi32, #tpu.memory_space<hbm>>
    tpu.enqueue_indirect_dma source(%dma_start3A_112 : memref<4096x128xi32, #tpu.memory_space<hbm>>) target(%arg13 : memref<16x128xi32, #tpu.memory_space<vmem>>) offsets(%arg11 : memref<16xi32, #tpu.memory_space<vmem>>) semaphore(%arg14 : memref<!tpu.dma_semaphore, #tpu.memory_space<semaphore_mem>>)
    %dma_wait3A_113 = arith.constant 0 : i32
    %dma_wait3A_114 = arith.constant 0 : i32
    %dma_wait3A_115 = tpu.memref_slice %arg4[%dma_wait3A_113, %dma_wait3A_114] : memref<4096x3072xf32, #tpu.memory_space<hbm>> -> memref<4096x3072xf32, #tpu.memory_space<hbm>>
    tpu.wait_indirect_dma semaphore(%arg14 : memref<!tpu.dma_semaphore, #tpu.memory_space<semaphore_mem>>) src(%dma_wait3A_115 : memref<4096x3072xf32, #tpu.memory_space<hbm>>) dst(%arg12 : memref<16x3072xf32, #tpu.memory_space<vmem>>)
    %dma_wait3A_116 = arith.constant 0 : i32
    %dma_wait3A_117 = arith.constant 0 : i32
    %dma_wait3A_118 = tpu.memref_slice %arg5[%dma_wait3A_116, %dma_wait3A_117] : memref<4096x128xi32, #tpu.memory_space<hbm>> -> memref<4096x128xi32, #tpu.memory_space<hbm>>
    tpu.wait_indirect_dma semaphore(%arg14 : memref<!tpu.dma_semaphore, #tpu.memory_space<semaphore_mem>>) src(%dma_wait3A_118 : memref<4096x128xi32, #tpu.memory_space<hbm>>) dst(%arg13 : memref<16x128xi32, #tpu.memory_space<vmem>>)
    %dma_start3A_119 = arith.constant 0 : i32
    %dma_start3A_120 = arith.constant 0 : i32
    %dma_start3A_121 = tpu.memref_slice %arg2[%dma_start3A_119, %dma_start3A_120] : memref<50000x3072xf32, #tpu.memory_space<hbm>> -> memref<50000x3072xf32, #tpu.memory_space<hbm>>
    tpu.enqueue_indirect_dma source(%arg12 : memref<16x3072xf32, #tpu.memory_space<vmem>>) target(%dma_start3A_121 : memref<50000x3072xf32, #tpu.memory_space<hbm>>) offsets(%arg10 : memref<16xi32, #tpu.memory_space<vmem>>) semaphore(%arg15 : memref<!tpu.dma_semaphore, #tpu.memory_space<semaphore_mem>>)
    %dma_start3A_122 = arith.constant 0 : i32
    %dma_start3A_123 = arith.constant 0 : i32
    %dma_start3A_124 = tpu.memref_slice %arg3[%dma_start3A_122, %dma_start3A_123] : memref<50000x128xi32, #tpu.memory_space<hbm>> -> memref<50000x128xi32, #tpu.memory_space<hbm>>
    tpu.enqueue_indirect_dma source(%arg13 : memref<16x128xi32, #tpu.memory_space<vmem>>) target(%dma_start3A_124 : memref<50000x128xi32, #tpu.memory_space<hbm>>) offsets(%arg10 : memref<16xi32, #tpu.memory_space<vmem>>) semaphore(%arg15 : memref<!tpu.dma_semaphore, #tpu.memory_space<semaphore_mem>>)
    %dma_wait3A_125 = arith.constant 0 : i32
    %dma_wait3A_126 = arith.constant 0 : i32
    %dma_wait3A_127 = tpu.memref_slice %arg2[%dma_wait3A_125, %dma_wait3A_126] : memref<50000x3072xf32, #tpu.memory_space<hbm>> -> memref<50000x3072xf32, #tpu.memory_space<hbm>>
    tpu.wait_indirect_dma semaphore(%arg15 : memref<!tpu.dma_semaphore, #tpu.memory_space<semaphore_mem>>) src(%arg12 : memref<16x3072xf32, #tpu.memory_space<vmem>>) dst(%dma_wait3A_127 : memref<50000x3072xf32, #tpu.memory_space<hbm>>)
    %dma_wait3A_128 = arith.constant 0 : i32
    %dma_wait3A_129 = arith.constant 0 : i32
    %dma_wait3A_130 = tpu.memref_slice %arg3[%dma_wait3A_128, %dma_wait3A_129] : memref<50000x128xi32, #tpu.memory_space<hbm>> -> memref<50000x128xi32, #tpu.memory_space<hbm>>
    tpu.wait_indirect_dma semaphore(%arg15 : memref<!tpu.dma_semaphore, #tpu.memory_space<semaphore_mem>>) src(%arg13 : memref<16x128xi32, #tpu.memory_space<vmem>>) dst(%dma_wait3A_130 : memref<50000x128xi32, #tpu.memory_space<hbm>>)
    %add3A_131 = arith.constant 80 : i32
    %add3A_132 = arith.addi %mul3A_2, %add3A_131 : i32
    "tpu.region"() ({
      %run_scoped3A = tpu.sem_alloc : memref<!tpu.dma_semaphore, #tpu.memory_space<semaphore_mem>>
      %dma_start3A_209 = tpu.memref_slice %arg6[%add3A_132] : memref<4096xi32, #tpu.memory_space<hbm>> -> memref<16xi32, #tpu.memory_space<hbm>>
      %dma_start3A_210 = tpu.memref_slice %arg6[%add3A_132] : memref<4096xi32, #tpu.memory_space<hbm>> -> memref<16xi32, #tpu.memory_space<hbm>>
      tpu.enqueue_dma source(%dma_start3A_210 : memref<16xi32, #tpu.memory_space<hbm>>) target(%arg10 : memref<16xi32, #tpu.memory_space<vmem>>) target_semaphore(%run_scoped3A : memref<!tpu.dma_semaphore, #tpu.memory_space<semaphore_mem>>)
      %dma_wait3A_211 = tpu.memref_slice %arg6[%add3A_132] : memref<4096xi32, #tpu.memory_space<hbm>> -> memref<16xi32, #tpu.memory_space<hbm>>
      %dma_wait3A_212 = tpu.memref_slice %arg6[%add3A_132] : memref<4096xi32, #tpu.memory_space<hbm>> -> memref<16xi32, #tpu.memory_space<hbm>>
      tpu.wait_dma2 semaphore(%run_scoped3A : memref<!tpu.dma_semaphore, #tpu.memory_space<semaphore_mem>>) src(%dma_wait3A_212 : memref<16xi32, #tpu.memory_space<hbm>>) dst(%arg10 : memref<16xi32, #tpu.memory_space<vmem>>)
      tpu.yield
    }) : () -> ()
    "tpu.region"() ({
      %run_scoped3A = tpu.sem_alloc : memref<!tpu.dma_semaphore, #tpu.memory_space<semaphore_mem>>
      %dma_start3A_209 = tpu.memref_slice %arg7[%add3A_132] : memref<4096xi32, #tpu.memory_space<hbm>> -> memref<16xi32, #tpu.memory_space<hbm>>
      %dma_start3A_210 = tpu.memref_slice %arg7[%add3A_132] : memref<4096xi32, #tpu.memory_space<hbm>> -> memref<16xi32, #tpu.memory_space<hbm>>
      tpu.enqueue_dma source(%dma_start3A_210 : memref<16xi32, #tpu.memory_space<hbm>>) target(%arg11 : memref<16xi32, #tpu.memory_space<vmem>>) target_semaphore(%run_scoped3A : memref<!tpu.dma_semaphore, #tpu.memory_space<semaphore_mem>>)
      %dma_wait3A_211 = tpu.memref_slice %arg7[%add3A_132] : memref<4096xi32, #tpu.memory_space<hbm>> -> memref<16xi32, #tpu.memory_space<hbm>>
      %dma_wait3A_212 = tpu.memref_slice %arg7[%add3A_132] : memref<4096xi32, #tpu.memory_space<hbm>> -> memref<16xi32, #tpu.memory_space<hbm>>
      tpu.wait_dma2 semaphore(%run_scoped3A : memref<!tpu.dma_semaphore, #tpu.memory_space<semaphore_mem>>) src(%dma_wait3A_212 : memref<16xi32, #tpu.memory_space<hbm>>) dst(%arg11 : memref<16xi32, #tpu.memory_space<vmem>>)
      tpu.yield
    }) : () -> ()
    %dma_start3A_133 = arith.constant 0 : i32
    %dma_start3A_134 = arith.constant 0 : i32
    %dma_start3A_135 = tpu.memref_slice %arg4[%dma_start3A_133, %dma_start3A_134] : memref<4096x3072xf32, #tpu.memory_space<hbm>> -> memref<4096x3072xf32, #tpu.memory_space<hbm>>
    tpu.enqueue_indirect_dma source(%dma_start3A_135 : memref<4096x3072xf32, #tpu.memory_space<hbm>>) target(%arg12 : memref<16x3072xf32, #tpu.memory_space<vmem>>) offsets(%arg11 : memref<16xi32, #tpu.memory_space<vmem>>) semaphore(%arg14 : memref<!tpu.dma_semaphore, #tpu.memory_space<semaphore_mem>>)
    %dma_start3A_136 = arith.constant 0 : i32
    %dma_start3A_137 = arith.constant 0 : i32
    %dma_start3A_138 = tpu.memref_slice %arg5[%dma_start3A_136, %dma_start3A_137] : memref<4096x128xi32, #tpu.memory_space<hbm>> -> memref<4096x128xi32, #tpu.memory_space<hbm>>
    tpu.enqueue_indirect_dma source(%dma_start3A_138 : memref<4096x128xi32, #tpu.memory_space<hbm>>) target(%arg13 : memref<16x128xi32, #tpu.memory_space<vmem>>) offsets(%arg11 : memref<16xi32, #tpu.memory_space<vmem>>) semaphore(%arg14 : memref<!tpu.dma_semaphore, #tpu.memory_space<semaphore_mem>>)
    %dma_wait3A_139 = arith.constant 0 : i32
    %dma_wait3A_140 = arith.constant 0 : i32
    %dma_wait3A_141 = tpu.memref_slice %arg4[%dma_wait3A_139, %dma_wait3A_140] : memref<4096x3072xf32, #tpu.memory_space<hbm>> -> memref<4096x3072xf32, #tpu.memory_space<hbm>>
    tpu.wait_indirect_dma semaphore(%arg14 : memref<!tpu.dma_semaphore, #tpu.memory_space<semaphore_mem>>) src(%dma_wait3A_141 : memref<4096x3072xf32, #tpu.memory_space<hbm>>) dst(%arg12 : memref<16x3072xf32, #tpu.memory_space<vmem>>)
    %dma_wait3A_142 = arith.constant 0 : i32
    %dma_wait3A_143 = arith.constant 0 : i32
    %dma_wait3A_144 = tpu.memref_slice %arg5[%dma_wait3A_142, %dma_wait3A_143] : memref<4096x128xi32, #tpu.memory_space<hbm>> -> memref<4096x128xi32, #tpu.memory_space<hbm>>
    tpu.wait_indirect_dma semaphore(%arg14 : memref<!tpu.dma_semaphore, #tpu.memory_space<semaphore_mem>>) src(%dma_wait3A_144 : memref<4096x128xi32, #tpu.memory_space<hbm>>) dst(%arg13 : memref<16x128xi32, #tpu.memory_space<vmem>>)
    %dma_start3A_145 = arith.constant 0 : i32
    %dma_start3A_146 = arith.constant 0 : i32
    %dma_start3A_147 = tpu.memref_slice %arg2[%dma_start3A_145, %dma_start3A_146] : memref<50000x3072xf32, #tpu.memory_space<hbm>> -> memref<50000x3072xf32, #tpu.memory_space<hbm>>
    tpu.enqueue_indirect_dma source(%arg12 : memref<16x3072xf32, #tpu.memory_space<vmem>>) target(%dma_start3A_147 : memref<50000x3072xf32, #tpu.memory_space<hbm>>) offsets(%arg10 : memref<16xi32, #tpu.memory_space<vmem>>) semaphore(%arg15 : memref<!tpu.dma_semaphore, #tpu.memory_space<semaphore_mem>>)
    %dma_start3A_148 = arith.constant 0 : i32
    %dma_start3A_149 = arith.constant 0 : i32
    %dma_start3A_150 = tpu.memref_slice %arg3[%dma_start3A_148, %dma_start3A_149] : memref<50000x128xi32, #tpu.memory_space<hbm>> -> memref<50000x128xi32, #tpu.memory_space<hbm>>
    tpu.enqueue_indirect_dma source(%arg13 : memref<16x128xi32, #tpu.memory_space<vmem>>) target(%dma_start3A_150 : memref<50000x128xi32, #tpu.memory_space<hbm>>) offsets(%arg10 : memref<16xi32, #tpu.memory_space<vmem>>) semaphore(%arg15 : memref<!tpu.dma_semaphore, #tpu.memory_space<semaphore_mem>>)
    %dma_wait3A_151 = arith.constant 0 : i32
    %dma_wait3A_152 = arith.constant 0 : i32
    %dma_wait3A_153 = tpu.memref_slice %arg2[%dma_wait3A_151, %dma_wait3A_152] : memref<50000x3072xf32, #tpu.memory_space<hbm>> -> memref<50000x3072xf32, #tpu.memory_space<hbm>>
    tpu.wait_indirect_dma semaphore(%arg15 : memref<!tpu.dma_semaphore, #tpu.memory_space<semaphore_mem>>) src(%arg12 : memref<16x3072xf32, #tpu.memory_space<vmem>>) dst(%dma_wait3A_153 : memref<50000x3072xf32, #tpu.memory_space<hbm>>)
    %dma_wait3A_154 = arith.constant 0 : i32
    %dma_wait3A_155 = arith.constant 0 : i32
    %dma_wait3A_156 = tpu.memref_slice %arg3[%dma_wait3A_154, %dma_wait3A_155] : memref<50000x128xi32, #tpu.memory_space<hbm>> -> memref<50000x128xi32, #tpu.memory_space<hbm>>
    tpu.wait_indirect_dma semaphore(%arg15 : memref<!tpu.dma_semaphore, #tpu.memory_space<semaphore_mem>>) src(%arg13 : memref<16x128xi32, #tpu.memory_space<vmem>>) dst(%dma_wait3A_156 : memref<50000x128xi32, #tpu.memory_space<hbm>>)
    %add3A_157 = arith.constant 96 : i32
    %add3A_158 = arith.addi %mul3A_2, %add3A_157 : i32
    "tpu.region"() ({
      %run_scoped3A = tpu.sem_alloc : memref<!tpu.dma_semaphore, #tpu.memory_space<semaphore_mem>>
      %dma_start3A_209 = tpu.memref_slice %arg6[%add3A_158] : memref<4096xi32, #tpu.memory_space<hbm>> -> memref<16xi32, #tpu.memory_space<hbm>>
      %dma_start3A_210 = tpu.memref_slice %arg6[%add3A_158] : memref<4096xi32, #tpu.memory_space<hbm>> -> memref<16xi32, #tpu.memory_space<hbm>>
      tpu.enqueue_dma source(%dma_start3A_210 : memref<16xi32, #tpu.memory_space<hbm>>) target(%arg10 : memref<16xi32, #tpu.memory_space<vmem>>) target_semaphore(%run_scoped3A : memref<!tpu.dma_semaphore, #tpu.memory_space<semaphore_mem>>)
      %dma_wait3A_211 = tpu.memref_slice %arg6[%add3A_158] : memref<4096xi32, #tpu.memory_space<hbm>> -> memref<16xi32, #tpu.memory_space<hbm>>
      %dma_wait3A_212 = tpu.memref_slice %arg6[%add3A_158] : memref<4096xi32, #tpu.memory_space<hbm>> -> memref<16xi32, #tpu.memory_space<hbm>>
      tpu.wait_dma2 semaphore(%run_scoped3A : memref<!tpu.dma_semaphore, #tpu.memory_space<semaphore_mem>>) src(%dma_wait3A_212 : memref<16xi32, #tpu.memory_space<hbm>>) dst(%arg10 : memref<16xi32, #tpu.memory_space<vmem>>)
      tpu.yield
    }) : () -> ()
    "tpu.region"() ({
      %run_scoped3A = tpu.sem_alloc : memref<!tpu.dma_semaphore, #tpu.memory_space<semaphore_mem>>
      %dma_start3A_209 = tpu.memref_slice %arg7[%add3A_158] : memref<4096xi32, #tpu.memory_space<hbm>> -> memref<16xi32, #tpu.memory_space<hbm>>
      %dma_start3A_210 = tpu.memref_slice %arg7[%add3A_158] : memref<4096xi32, #tpu.memory_space<hbm>> -> memref<16xi32, #tpu.memory_space<hbm>>
      tpu.enqueue_dma source(%dma_start3A_210 : memref<16xi32, #tpu.memory_space<hbm>>) target(%arg11 : memref<16xi32, #tpu.memory_space<vmem>>) target_semaphore(%run_scoped3A : memref<!tpu.dma_semaphore, #tpu.memory_space<semaphore_mem>>)
      %dma_wait3A_211 = tpu.memref_slice %arg7[%add3A_158] : memref<4096xi32, #tpu.memory_space<hbm>> -> memref<16xi32, #tpu.memory_space<hbm>>
      %dma_wait3A_212 = tpu.memref_slice %arg7[%add3A_158] : memref<4096xi32, #tpu.memory_space<hbm>> -> memref<16xi32, #tpu.memory_space<hbm>>
      tpu.wait_dma2 semaphore(%run_scoped3A : memref<!tpu.dma_semaphore, #tpu.memory_space<semaphore_mem>>) src(%dma_wait3A_212 : memref<16xi32, #tpu.memory_space<hbm>>) dst(%arg11 : memref<16xi32, #tpu.memory_space<vmem>>)
      tpu.yield
    }) : () -> ()
    %dma_start3A_159 = arith.constant 0 : i32
    %dma_start3A_160 = arith.constant 0 : i32
    %dma_start3A_161 = tpu.memref_slice %arg4[%dma_start3A_159, %dma_start3A_160] : memref<4096x3072xf32, #tpu.memory_space<hbm>> -> memref<4096x3072xf32, #tpu.memory_space<hbm>>
    tpu.enqueue_indirect_dma source(%dma_start3A_161 : memref<4096x3072xf32, #tpu.memory_space<hbm>>) target(%arg12 : memref<16x3072xf32, #tpu.memory_space<vmem>>) offsets(%arg11 : memref<16xi32, #tpu.memory_space<vmem>>) semaphore(%arg14 : memref<!tpu.dma_semaphore, #tpu.memory_space<semaphore_mem>>)
    %dma_start3A_162 = arith.constant 0 : i32
    %dma_start3A_163 = arith.constant 0 : i32
    %dma_start3A_164 = tpu.memref_slice %arg5[%dma_start3A_162, %dma_start3A_163] : memref<4096x128xi32, #tpu.memory_space<hbm>> -> memref<4096x128xi32, #tpu.memory_space<hbm>>
    tpu.enqueue_indirect_dma source(%dma_start3A_164 : memref<4096x128xi32, #tpu.memory_space<hbm>>) target(%arg13 : memref<16x128xi32, #tpu.memory_space<vmem>>) offsets(%arg11 : memref<16xi32, #tpu.memory_space<vmem>>) semaphore(%arg14 : memref<!tpu.dma_semaphore, #tpu.memory_space<semaphore_mem>>)
    %dma_wait3A_165 = arith.constant 0 : i32
    %dma_wait3A_166 = arith.constant 0 : i32
    %dma_wait3A_167 = tpu.memref_slice %arg4[%dma_wait3A_165, %dma_wait3A_166] : memref<4096x3072xf32, #tpu.memory_space<hbm>> -> memref<4096x3072xf32, #tpu.memory_space<hbm>>
    tpu.wait_indirect_dma semaphore(%arg14 : memref<!tpu.dma_semaphore, #tpu.memory_space<semaphore_mem>>) src(%dma_wait3A_167 : memref<4096x3072xf32, #tpu.memory_space<hbm>>) dst(%arg12 : memref<16x3072xf32, #tpu.memory_space<vmem>>)
    %dma_wait3A_168 = arith.constant 0 : i32
    %dma_wait3A_169 = arith.constant 0 : i32
    %dma_wait3A_170 = tpu.memref_slice %arg5[%dma_wait3A_168, %dma_wait3A_169] : memref<4096x128xi32, #tpu.memory_space<hbm>> -> memref<4096x128xi32, #tpu.memory_space<hbm>>
    tpu.wait_indirect_dma semaphore(%arg14 : memref<!tpu.dma_semaphore, #tpu.memory_space<semaphore_mem>>) src(%dma_wait3A_170 : memref<4096x128xi32, #tpu.memory_space<hbm>>) dst(%arg13 : memref<16x128xi32, #tpu.memory_space<vmem>>)
    %dma_start3A_171 = arith.constant 0 : i32
    %dma_start3A_172 = arith.constant 0 : i32
    %dma_start3A_173 = tpu.memref_slice %arg2[%dma_start3A_171, %dma_start3A_172] : memref<50000x3072xf32, #tpu.memory_space<hbm>> -> memref<50000x3072xf32, #tpu.memory_space<hbm>>
    tpu.enqueue_indirect_dma source(%arg12 : memref<16x3072xf32, #tpu.memory_space<vmem>>) target(%dma_start3A_173 : memref<50000x3072xf32, #tpu.memory_space<hbm>>) offsets(%arg10 : memref<16xi32, #tpu.memory_space<vmem>>) semaphore(%arg15 : memref<!tpu.dma_semaphore, #tpu.memory_space<semaphore_mem>>)
    %dma_start3A_174 = arith.constant 0 : i32
    %dma_start3A_175 = arith.constant 0 : i32
    %dma_start3A_176 = tpu.memref_slice %arg3[%dma_start3A_174, %dma_start3A_175] : memref<50000x128xi32, #tpu.memory_space<hbm>> -> memref<50000x128xi32, #tpu.memory_space<hbm>>
    tpu.enqueue_indirect_dma source(%arg13 : memref<16x128xi32, #tpu.memory_space<vmem>>) target(%dma_start3A_176 : memref<50000x128xi32, #tpu.memory_space<hbm>>) offsets(%arg10 : memref<16xi32, #tpu.memory_space<vmem>>) semaphore(%arg15 : memref<!tpu.dma_semaphore, #tpu.memory_space<semaphore_mem>>)
    %dma_wait3A_177 = arith.constant 0 : i32
    %dma_wait3A_178 = arith.constant 0 : i32
    %dma_wait3A_179 = tpu.memref_slice %arg2[%dma_wait3A_177, %dma_wait3A_178] : memref<50000x3072xf32, #tpu.memory_space<hbm>> -> memref<50000x3072xf32, #tpu.memory_space<hbm>>
    tpu.wait_indirect_dma semaphore(%arg15 : memref<!tpu.dma_semaphore, #tpu.memory_space<semaphore_mem>>) src(%arg12 : memref<16x3072xf32, #tpu.memory_space<vmem>>) dst(%dma_wait3A_179 : memref<50000x3072xf32, #tpu.memory_space<hbm>>)
    %dma_wait3A_180 = arith.constant 0 : i32
    %dma_wait3A_181 = arith.constant 0 : i32
    %dma_wait3A_182 = tpu.memref_slice %arg3[%dma_wait3A_180, %dma_wait3A_181] : memref<50000x128xi32, #tpu.memory_space<hbm>> -> memref<50000x128xi32, #tpu.memory_space<hbm>>
    tpu.wait_indirect_dma semaphore(%arg15 : memref<!tpu.dma_semaphore, #tpu.memory_space<semaphore_mem>>) src(%arg13 : memref<16x128xi32, #tpu.memory_space<vmem>>) dst(%dma_wait3A_182 : memref<50000x128xi32, #tpu.memory_space<hbm>>)
    %add3A_183 = arith.constant 112 : i32
    %add3A_184 = arith.addi %mul3A_2, %add3A_183 : i32
    "tpu.region"() ({
      %run_scoped3A = tpu.sem_alloc : memref<!tpu.dma_semaphore, #tpu.memory_space<semaphore_mem>>
      %dma_start3A_209 = tpu.memref_slice %arg6[%add3A_184] : memref<4096xi32, #tpu.memory_space<hbm>> -> memref<16xi32, #tpu.memory_space<hbm>>
      %dma_start3A_210 = tpu.memref_slice %arg6[%add3A_184] : memref<4096xi32, #tpu.memory_space<hbm>> -> memref<16xi32, #tpu.memory_space<hbm>>
      tpu.enqueue_dma source(%dma_start3A_210 : memref<16xi32, #tpu.memory_space<hbm>>) target(%arg10 : memref<16xi32, #tpu.memory_space<vmem>>) target_semaphore(%run_scoped3A : memref<!tpu.dma_semaphore, #tpu.memory_space<semaphore_mem>>)
      %dma_wait3A_211 = tpu.memref_slice %arg6[%add3A_184] : memref<4096xi32, #tpu.memory_space<hbm>> -> memref<16xi32, #tpu.memory_space<hbm>>
      %dma_wait3A_212 = tpu.memref_slice %arg6[%add3A_184] : memref<4096xi32, #tpu.memory_space<hbm>> -> memref<16xi32, #tpu.memory_space<hbm>>
      tpu.wait_dma2 semaphore(%run_scoped3A : memref<!tpu.dma_semaphore, #tpu.memory_space<semaphore_mem>>) src(%dma_wait3A_212 : memref<16xi32, #tpu.memory_space<hbm>>) dst(%arg10 : memref<16xi32, #tpu.memory_space<vmem>>)
      tpu.yield
    }) : () -> ()
    "tpu.region"() ({
      %run_scoped3A = tpu.sem_alloc : memref<!tpu.dma_semaphore, #tpu.memory_space<semaphore_mem>>
      %dma_start3A_209 = tpu.memref_slice %arg7[%add3A_184] : memref<4096xi32, #tpu.memory_space<hbm>> -> memref<16xi32, #tpu.memory_space<hbm>>
      %dma_start3A_210 = tpu.memref_slice %arg7[%add3A_184] : memref<4096xi32, #tpu.memory_space<hbm>> -> memref<16xi32, #tpu.memory_space<hbm>>
      tpu.enqueue_dma source(%dma_start3A_210 : memref<16xi32, #tpu.memory_space<hbm>>) target(%arg11 : memref<16xi32, #tpu.memory_space<vmem>>) target_semaphore(%run_scoped3A : memref<!tpu.dma_semaphore, #tpu.memory_space<semaphore_mem>>)
      %dma_wait3A_211 = tpu.memref_slice %arg7[%add3A_184] : memref<4096xi32, #tpu.memory_space<hbm>> -> memref<16xi32, #tpu.memory_space<hbm>>
      %dma_wait3A_212 = tpu.memref_slice %arg7[%add3A_184] : memref<4096xi32, #tpu.memory_space<hbm>> -> memref<16xi32, #tpu.memory_space<hbm>>
      tpu.wait_dma2 semaphore(%run_scoped3A : memref<!tpu.dma_semaphore, #tpu.memory_space<semaphore_mem>>) src(%dma_wait3A_212 : memref<16xi32, #tpu.memory_space<hbm>>) dst(%arg11 : memref<16xi32, #tpu.memory_space<vmem>>)
      tpu.yield
    }) : () -> ()
    %dma_start3A_185 = arith.constant 0 : i32
    %dma_start3A_186 = arith.constant 0 : i32
    %dma_start3A_187 = tpu.memref_slice %arg4[%dma_start3A_185, %dma_start3A_186] : memref<4096x3072xf32, #tpu.memory_space<hbm>> -> memref<4096x3072xf32, #tpu.memory_space<hbm>>
    tpu.enqueue_indirect_dma source(%dma_start3A_187 : memref<4096x3072xf32, #tpu.memory_space<hbm>>) target(%arg12 : memref<16x3072xf32, #tpu.memory_space<vmem>>) offsets(%arg11 : memref<16xi32, #tpu.memory_space<vmem>>) semaphore(%arg14 : memref<!tpu.dma_semaphore, #tpu.memory_space<semaphore_mem>>)
    %dma_start3A_188 = arith.constant 0 : i32
    %dma_start3A_189 = arith.constant 0 : i32
    %dma_start3A_190 = tpu.memref_slice %arg5[%dma_start3A_188, %dma_start3A_189] : memref<4096x128xi32, #tpu.memory_space<hbm>> -> memref<4096x128xi32, #tpu.memory_space<hbm>>
    tpu.enqueue_indirect_dma source(%dma_start3A_190 : memref<4096x128xi32, #tpu.memory_space<hbm>>) target(%arg13 : memref<16x128xi32, #tpu.memory_space<vmem>>) offsets(%arg11 : memref<16xi32, #tpu.memory_space<vmem>>) semaphore(%arg14 : memref<!tpu.dma_semaphore, #tpu.memory_space<semaphore_mem>>)
    %dma_wait3A_191 = arith.constant 0 : i32
    %dma_wait3A_192 = arith.constant 0 : i32
    %dma_wait3A_193 = tpu.memref_slice %arg4[%dma_wait3A_191, %dma_wait3A_192] : memref<4096x3072xf32, #tpu.memory_space<hbm>> -> memref<4096x3072xf32, #tpu.memory_space<hbm>>
    tpu.wait_indirect_dma semaphore(%arg14 : memref<!tpu.dma_semaphore, #tpu.memory_space<semaphore_mem>>) src(%dma_wait3A_193 : memref<4096x3072xf32, #tpu.memory_space<hbm>>) dst(%arg12 : memref<16x3072xf32, #tpu.memory_space<vmem>>)
    %dma_wait3A_194 = arith.constant 0 : i32
    %dma_wait3A_195 = arith.constant 0 : i32
    %dma_wait3A_196 = tpu.memref_slice %arg5[%dma_wait3A_194, %dma_wait3A_195] : memref<4096x128xi32, #tpu.memory_space<hbm>> -> memref<4096x128xi32, #tpu.memory_space<hbm>>
    tpu.wait_indirect_dma semaphore(%arg14 : memref<!tpu.dma_semaphore, #tpu.memory_space<semaphore_mem>>) src(%dma_wait3A_196 : memref<4096x128xi32, #tpu.memory_space<hbm>>) dst(%arg13 : memref<16x128xi32, #tpu.memory_space<vmem>>)
    %dma_start3A_197 = arith.constant 0 : i32
    %dma_start3A_198 = arith.constant 0 : i32
    %dma_start3A_199 = tpu.memref_slice %arg2[%dma_start3A_197, %dma_start3A_198] : memref<50000x3072xf32, #tpu.memory_space<hbm>> -> memref<50000x3072xf32, #tpu.memory_space<hbm>>
    tpu.enqueue_indirect_dma source(%arg12 : memref<16x3072xf32, #tpu.memory_space<vmem>>) target(%dma_start3A_199 : memref<50000x3072xf32, #tpu.memory_space<hbm>>) offsets(%arg10 : memref<16xi32, #tpu.memory_space<vmem>>) semaphore(%arg15 : memref<!tpu.dma_semaphore, #tpu.memory_space<semaphore_mem>>)
    %dma_start3A_200 = arith.constant 0 : i32
    %dma_start3A_201 = arith.constant 0 : i32
    %dma_start3A_202 = tpu.memref_slice %arg3[%dma_start3A_200, %dma_start3A_201] : memref<50000x128xi32, #tpu.memory_space<hbm>> -> memref<50000x128xi32, #tpu.memory_space<hbm>>
    tpu.enqueue_indirect_dma source(%arg13 : memref<16x128xi32, #tpu.memory_space<vmem>>) target(%dma_start3A_202 : memref<50000x128xi32, #tpu.memory_space<hbm>>) offsets(%arg10 : memref<16xi32, #tpu.memory_space<vmem>>) semaphore(%arg15 : memref<!tpu.dma_semaphore, #tpu.memory_space<semaphore_mem>>)
    %dma_wait3A_203 = arith.constant 0 : i32
    %dma_wait3A_204 = arith.constant 0 : i32
    %dma_wait3A_205 = tpu.memref_slice %arg2[%dma_wait3A_203, %dma_wait3A_204] : memref<50000x3072xf32, #tpu.memory_space<hbm>> -> memref<50000x3072xf32, #tpu.memory_space<hbm>>
    tpu.wait_indirect_dma semaphore(%arg15 : memref<!tpu.dma_semaphore, #tpu.memory_space<semaphore_mem>>) src(%arg12 : memref<16x3072xf32, #tpu.memory_space<vmem>>) dst(%dma_wait3A_205 : memref<50000x3072xf32, #tpu.memory_space<hbm>>)
    %dma_wait3A_206 = arith.constant 0 : i32
    %dma_wait3A_207 = arith.constant 0 : i32
    %dma_wait3A_208 = tpu.memref_slice %arg3[%dma_wait3A_206, %dma_wait3A_207] : memref<50000x128xi32, #tpu.memory_space<hbm>> -> memref<50000x128xi32, #tpu.memory_space<hbm>>
    tpu.wait_indirect_dma semaphore(%arg15 : memref<!tpu.dma_semaphore, #tpu.memory_space<semaphore_mem>>) src(%arg13 : memref<16x128xi32, #tpu.memory_space<vmem>>) dst(%dma_wait3A_208 : memref<50000x128xi32, #tpu.memory_space<hbm>>)
    return
  }
}

module attributes {stable_mosaic.version = 14 : i64} {
  func.func @_winner_body(%arg0: memref<4096x1xi32, #tpu.memory_space<vmem>>, %arg1: memref<1x4096xi32, #tpu.memory_space<vmem>>, %arg2: memref<4096x1xi32, #tpu.memory_space<vmem>>) attributes {dimension_semantics = [], scalar_prefetch = 0 : i64, scratch_operands = 0 : i64, tpu.core_type = #tpu.core_type<tc>} {
    %get3A = arith.constant 0 : index
    %get3A_0 = arith.constant 0 : index
    %get3A_1 = vector.load %arg0[%get3A, %get3A_0] : memref<4096x1xi32, #tpu.memory_space<vmem>>, vector<4096x1xi32>
    %broadcast_in_dim3A = arith.constant -1 : i32
    %broadcast_in_dim3A_2 = vector.broadcast %broadcast_in_dim3A : i32 to vector<4096x1xi32>
    %get3A_3 = arith.constant 0 : index
    %get3A_4 = arith.constant 0 : index
    %get3A_5 = vector.load %arg1[%get3A_3, %get3A_4] : memref<1x4096xi32, #tpu.memory_space<vmem>>, vector<1x512xi32>
    %iota3A = tpu.iota {dimensions = array<i32: 1>} : vector<4096x512xi32>
    %add3A = arith.constant 0 : i32
    %add3A_6 = vector.broadcast %add3A : i32 to vector<4096x512xi32>
    %add3A_7 = arith.addi %add3A_6, %iota3A : vector<4096x512xi32>
    %eq3A = vector.broadcast %get3A_1 : vector<4096x1xi32> to vector<4096x512xi32>
    %eq3A_8 = vector.broadcast %get3A_5 : vector<1x512xi32> to vector<4096x512xi32>
    %eq3A_9 = arith.cmpi eq, %eq3A, %eq3A_8 : vector<4096x512xi32>
    %jit3A = arith.constant -1 : i32
    %broadcast_in_dim3A_10 = vector.broadcast %jit3A : i32 to vector<4096x512xi32>
    %select_n3A = arith.select %eq3A_9, %add3A_7, %broadcast_in_dim3A_10 : vector<4096x512xi1>, vector<4096x512xi32>
    %reduce_max3A = arith.constant dense<-2147483648> : vector<4096xi32>
    %reduce_max3A_11 = vector.multi_reduction <maxsi>, %select_n3A, %reduce_max3A [1] : vector<4096x512xi32> to vector<4096xi32>
    %broadcast_in_dim3A_12 = vector.shape_cast %reduce_max3A_11 : vector<4096xi32> to vector<4096x1xi32>
    %max3A = arith.maxsi %broadcast_in_dim3A_2, %broadcast_in_dim3A_12 : vector<4096x1xi32>
    %get3A_13 = arith.constant 0 : index
    %get3A_14 = arith.constant 512 : index
    %get3A_15 = vector.load %arg1[%get3A_13, %get3A_14] : memref<1x4096xi32, #tpu.memory_space<vmem>>, vector<1x512xi32>
    %iota3A_16 = tpu.iota {dimensions = array<i32: 1>} : vector<4096x512xi32>
    %add3A_17 = arith.constant 512 : i32
    %add3A_18 = vector.broadcast %add3A_17 : i32 to vector<4096x512xi32>
    %add3A_19 = arith.addi %add3A_18, %iota3A_16 : vector<4096x512xi32>
    %eq3A_20 = vector.broadcast %get3A_1 : vector<4096x1xi32> to vector<4096x512xi32>
    %eq3A_21 = vector.broadcast %get3A_15 : vector<1x512xi32> to vector<4096x512xi32>
    %eq3A_22 = arith.cmpi eq, %eq3A_20, %eq3A_21 : vector<4096x512xi32>
    %jit3A_23 = arith.constant -1 : i32
    %broadcast_in_dim3A_24 = vector.broadcast %jit3A_23 : i32 to vector<4096x512xi32>
    %select_n3A_25 = arith.select %eq3A_22, %add3A_19, %broadcast_in_dim3A_24 : vector<4096x512xi1>, vector<4096x512xi32>
    %reduce_max3A_26 = arith.constant dense<-2147483648> : vector<4096xi32>
    %reduce_max3A_27 = vector.multi_reduction <maxsi>, %select_n3A_25, %reduce_max3A_26 [1] : vector<4096x512xi32> to vector<4096xi32>
    %broadcast_in_dim3A_28 = vector.shape_cast %reduce_max3A_27 : vector<4096xi32> to vector<4096x1xi32>
    %max3A_29 = arith.maxsi %max3A, %broadcast_in_dim3A_28 : vector<4096x1xi32>
    %get3A_30 = arith.constant 0 : index
    %get3A_31 = arith.constant 1024 : index
    %get3A_32 = vector.load %arg1[%get3A_30, %get3A_31] : memref<1x4096xi32, #tpu.memory_space<vmem>>, vector<1x512xi32>
    %iota3A_33 = tpu.iota {dimensions = array<i32: 1>} : vector<4096x512xi32>
    %add3A_34 = arith.constant 1024 : i32
    %add3A_35 = vector.broadcast %add3A_34 : i32 to vector<4096x512xi32>
    %add3A_36 = arith.addi %add3A_35, %iota3A_33 : vector<4096x512xi32>
    %eq3A_37 = vector.broadcast %get3A_1 : vector<4096x1xi32> to vector<4096x512xi32>
    %eq3A_38 = vector.broadcast %get3A_32 : vector<1x512xi32> to vector<4096x512xi32>
    %eq3A_39 = arith.cmpi eq, %eq3A_37, %eq3A_38 : vector<4096x512xi32>
    %jit3A_40 = arith.constant -1 : i32
    %broadcast_in_dim3A_41 = vector.broadcast %jit3A_40 : i32 to vector<4096x512xi32>
    %select_n3A_42 = arith.select %eq3A_39, %add3A_36, %broadcast_in_dim3A_41 : vector<4096x512xi1>, vector<4096x512xi32>
    %reduce_max3A_43 = arith.constant dense<-2147483648> : vector<4096xi32>
    %reduce_max3A_44 = vector.multi_reduction <maxsi>, %select_n3A_42, %reduce_max3A_43 [1] : vector<4096x512xi32> to vector<4096xi32>
    %broadcast_in_dim3A_45 = vector.shape_cast %reduce_max3A_44 : vector<4096xi32> to vector<4096x1xi32>
    %max3A_46 = arith.maxsi %max3A_29, %broadcast_in_dim3A_45 : vector<4096x1xi32>
    %get3A_47 = arith.constant 0 : index
    %get3A_48 = arith.constant 1536 : index
    %get3A_49 = vector.load %arg1[%get3A_47, %get3A_48] : memref<1x4096xi32, #tpu.memory_space<vmem>>, vector<1x512xi32>
    %iota3A_50 = tpu.iota {dimensions = array<i32: 1>} : vector<4096x512xi32>
    %add3A_51 = arith.constant 1536 : i32
    %add3A_52 = vector.broadcast %add3A_51 : i32 to vector<4096x512xi32>
    %add3A_53 = arith.addi %add3A_52, %iota3A_50 : vector<4096x512xi32>
    %eq3A_54 = vector.broadcast %get3A_1 : vector<4096x1xi32> to vector<4096x512xi32>
    %eq3A_55 = vector.broadcast %get3A_49 : vector<1x512xi32> to vector<4096x512xi32>
    %eq3A_56 = arith.cmpi eq, %eq3A_54, %eq3A_55 : vector<4096x512xi32>
    %jit3A_57 = arith.constant -1 : i32
    %broadcast_in_dim3A_58 = vector.broadcast %jit3A_57 : i32 to vector<4096x512xi32>
    %select_n3A_59 = arith.select %eq3A_56, %add3A_53, %broadcast_in_dim3A_58 : vector<4096x512xi1>, vector<4096x512xi32>
    %reduce_max3A_60 = arith.constant dense<-2147483648> : vector<4096xi32>
    %reduce_max3A_61 = vector.multi_reduction <maxsi>, %select_n3A_59, %reduce_max3A_60 [1] : vector<4096x512xi32> to vector<4096xi32>
    %broadcast_in_dim3A_62 = vector.shape_cast %reduce_max3A_61 : vector<4096xi32> to vector<4096x1xi32>
    %max3A_63 = arith.maxsi %max3A_46, %broadcast_in_dim3A_62 : vector<4096x1xi32>
    %get3A_64 = arith.constant 0 : index
    %get3A_65 = arith.constant 2048 : index
    %get3A_66 = vector.load %arg1[%get3A_64, %get3A_65] : memref<1x4096xi32, #tpu.memory_space<vmem>>, vector<1x512xi32>
    %iota3A_67 = tpu.iota {dimensions = array<i32: 1>} : vector<4096x512xi32>
    %add3A_68 = arith.constant 2048 : i32
    %add3A_69 = vector.broadcast %add3A_68 : i32 to vector<4096x512xi32>
    %add3A_70 = arith.addi %add3A_69, %iota3A_67 : vector<4096x512xi32>
    %eq3A_71 = vector.broadcast %get3A_1 : vector<4096x1xi32> to vector<4096x512xi32>
    %eq3A_72 = vector.broadcast %get3A_66 : vector<1x512xi32> to vector<4096x512xi32>
    %eq3A_73 = arith.cmpi eq, %eq3A_71, %eq3A_72 : vector<4096x512xi32>
    %jit3A_74 = arith.constant -1 : i32
    %broadcast_in_dim3A_75 = vector.broadcast %jit3A_74 : i32 to vector<4096x512xi32>
    %select_n3A_76 = arith.select %eq3A_73, %add3A_70, %broadcast_in_dim3A_75 : vector<4096x512xi1>, vector<4096x512xi32>
    %reduce_max3A_77 = arith.constant dense<-2147483648> : vector<4096xi32>
    %reduce_max3A_78 = vector.multi_reduction <maxsi>, %select_n3A_76, %reduce_max3A_77 [1] : vector<4096x512xi32> to vector<4096xi32>
    %broadcast_in_dim3A_79 = vector.shape_cast %reduce_max3A_78 : vector<4096xi32> to vector<4096x1xi32>
    %max3A_80 = arith.maxsi %max3A_63, %broadcast_in_dim3A_79 : vector<4096x1xi32>
    %get3A_81 = arith.constant 0 : index
    %get3A_82 = arith.constant 2560 : index
    %get3A_83 = vector.load %arg1[%get3A_81, %get3A_82] : memref<1x4096xi32, #tpu.memory_space<vmem>>, vector<1x512xi32>
    %iota3A_84 = tpu.iota {dimensions = array<i32: 1>} : vector<4096x512xi32>
    %add3A_85 = arith.constant 2560 : i32
    %add3A_86 = vector.broadcast %add3A_85 : i32 to vector<4096x512xi32>
    %add3A_87 = arith.addi %add3A_86, %iota3A_84 : vector<4096x512xi32>
    %eq3A_88 = vector.broadcast %get3A_1 : vector<4096x1xi32> to vector<4096x512xi32>
    %eq3A_89 = vector.broadcast %get3A_83 : vector<1x512xi32> to vector<4096x512xi32>
    %eq3A_90 = arith.cmpi eq, %eq3A_88, %eq3A_89 : vector<4096x512xi32>
    %jit3A_91 = arith.constant -1 : i32
    %broadcast_in_dim3A_92 = vector.broadcast %jit3A_91 : i32 to vector<4096x512xi32>
    %select_n3A_93 = arith.select %eq3A_90, %add3A_87, %broadcast_in_dim3A_92 : vector<4096x512xi1>, vector<4096x512xi32>
    %reduce_max3A_94 = arith.constant dense<-2147483648> : vector<4096xi32>
    %reduce_max3A_95 = vector.multi_reduction <maxsi>, %select_n3A_93, %reduce_max3A_94 [1] : vector<4096x512xi32> to vector<4096xi32>
    %broadcast_in_dim3A_96 = vector.shape_cast %reduce_max3A_95 : vector<4096xi32> to vector<4096x1xi32>
    %max3A_97 = arith.maxsi %max3A_80, %broadcast_in_dim3A_96 : vector<4096x1xi32>
    %get3A_98 = arith.constant 0 : index
    %get3A_99 = arith.constant 3072 : index
    %get3A_100 = vector.load %arg1[%get3A_98, %get3A_99] : memref<1x4096xi32, #tpu.memory_space<vmem>>, vector<1x512xi32>
    %iota3A_101 = tpu.iota {dimensions = array<i32: 1>} : vector<4096x512xi32>
    %add3A_102 = arith.constant 3072 : i32
    %add3A_103 = vector.broadcast %add3A_102 : i32 to vector<4096x512xi32>
    %add3A_104 = arith.addi %add3A_103, %iota3A_101 : vector<4096x512xi32>
    %eq3A_105 = vector.broadcast %get3A_1 : vector<4096x1xi32> to vector<4096x512xi32>
    %eq3A_106 = vector.broadcast %get3A_100 : vector<1x512xi32> to vector<4096x512xi32>
    %eq3A_107 = arith.cmpi eq, %eq3A_105, %eq3A_106 : vector<4096x512xi32>
    %jit3A_108 = arith.constant -1 : i32
    %broadcast_in_dim3A_109 = vector.broadcast %jit3A_108 : i32 to vector<4096x512xi32>
    %select_n3A_110 = arith.select %eq3A_107, %add3A_104, %broadcast_in_dim3A_109 : vector<4096x512xi1>, vector<4096x512xi32>
    %reduce_max3A_111 = arith.constant dense<-2147483648> : vector<4096xi32>
    %reduce_max3A_112 = vector.multi_reduction <maxsi>, %select_n3A_110, %reduce_max3A_111 [1] : vector<4096x512xi32> to vector<4096xi32>
    %broadcast_in_dim3A_113 = vector.shape_cast %reduce_max3A_112 : vector<4096xi32> to vector<4096x1xi32>
    %max3A_114 = arith.maxsi %max3A_97, %broadcast_in_dim3A_113 : vector<4096x1xi32>
    %get3A_115 = arith.constant 0 : index
    %get3A_116 = arith.constant 3584 : index
    %get3A_117 = vector.load %arg1[%get3A_115, %get3A_116] : memref<1x4096xi32, #tpu.memory_space<vmem>>, vector<1x512xi32>
    %iota3A_118 = tpu.iota {dimensions = array<i32: 1>} : vector<4096x512xi32>
    %add3A_119 = arith.constant 3584 : i32
    %add3A_120 = vector.broadcast %add3A_119 : i32 to vector<4096x512xi32>
    %add3A_121 = arith.addi %add3A_120, %iota3A_118 : vector<4096x512xi32>
    %eq3A_122 = vector.broadcast %get3A_1 : vector<4096x1xi32> to vector<4096x512xi32>
    %eq3A_123 = vector.broadcast %get3A_117 : vector<1x512xi32> to vector<4096x512xi32>
    %eq3A_124 = arith.cmpi eq, %eq3A_122, %eq3A_123 : vector<4096x512xi32>
    %jit3A_125 = arith.constant -1 : i32
    %broadcast_in_dim3A_126 = vector.broadcast %jit3A_125 : i32 to vector<4096x512xi32>
    %select_n3A_127 = arith.select %eq3A_124, %add3A_121, %broadcast_in_dim3A_126 : vector<4096x512xi1>, vector<4096x512xi32>
    %reduce_max3A_128 = arith.constant dense<-2147483648> : vector<4096xi32>
    %reduce_max3A_129 = vector.multi_reduction <maxsi>, %select_n3A_127, %reduce_max3A_128 [1] : vector<4096x512xi32> to vector<4096xi32>
    %broadcast_in_dim3A_130 = vector.shape_cast %reduce_max3A_129 : vector<4096xi32> to vector<4096x1xi32>
    %max3A_131 = arith.maxsi %max3A_114, %broadcast_in_dim3A_130 : vector<4096x1xi32>
    %swap3A = arith.constant 0 : index
    %swap3A_132 = arith.constant 0 : index
    %swap3A_133 = vector.load %arg2[%swap3A, %swap3A_132] : memref<4096x1xi32, #tpu.memory_space<vmem>>, vector<4096x1xi32>
    tpu.vector_store %arg2[%swap3A, %swap3A_132], %max3A_131 {strides = array<i32>} : memref<4096x1xi32, #tpu.memory_space<vmem>>, vector<4096x1xi32>,
    return
  }
}

</mosaic_0001>

<sc_bundles>
// kernel: kernel.4.cloned.1.call-start
scs
__scs_entry_jumppad:
0x0: {  	(pc) =	sbr.rel $0x88, $3  }
0x1: {  	(tag) =	ssettag $0x0;
	lr =	simm.s32 $0x1  }
0x2: {  	[smem:$0x3F9A] =	sst lr;
	_ =	strace $0xD0000000  }
0x3: {  	_ = 	snop  }
0x4: {  	_ = 	snop  }
0x5: {  	_ = 	snop  }
0x6: {  	_ = 	snop  }
0x7: {  	_ = 	snop  }
__scs_overlays_trampoline_lowered:
0x8: {  	[smem:$0x3FA9] =	sst s0  }
0x9: {  	[smem:$0x3FAA] =	sst s1  }
0xa: {  	[smem:$0x3FAB] =	sst s2  }
0xb: {  	[smem:$0x3FAC] =	sst s3  }
0xc: {  	[smem:$0x3FAD] =	sst s4  }
0xd: {  	[smem:$0x3FAE] =	sst s5  }
0xe: {  	[smem:$0x3FAF] =	sst s6  }
0xf: {  	[smem:$0x3FB0] =	sst s7  }
0x10: {  	[smem:$0x3FB1] =	sst s8  }
0x11: {  	[smem:$0x3FB2] =	sst s9;
	s0 =	simm.s32 @!p0 $0x0  }
0x12: {  	s1 =	sld [smem:$0x3F98];
	s0 =	simm.s32 @p0 $0x1  }
0x13: {  	[smem:$0x3FB3] =	sst s0;
	s0 =	simm.s32 @!p1 $0x0  }
0x14: {  	s2 =	sld [smem:$0x3F97];
	s0 =	simm.s32 @p1 $0x1  }
0x15: {  	[smem:$0x3FB4] =	sst s0;
	s0 =	simm.s32 @!p2 $0x0  }
0x16: {  	s3 =	sld [smem:$0x3FDB];
	s0 =	simm.s32 @p2 $0x1  }
0x17: {  	s4 =	simm.s32 $0x1BF5;
	[smem:$0x3FB6] =	sst s0  }
0x18: {  	s0 =	sld [smem:$0x3F99];
	_ =	swait.ge [sflag:s4], $0x0  }
0x19: {  	s7 =	sld [smem:$0x3F9A]  }
0x1a: {  	s8 =	sadd.s32 $0xFFFFE003, lr  }
0x1b: {  	s9 =	sadd.s32 $0xFFFFFEF7, lr;
	s5 =	simm.s32 $0xFFFFFFFF;
	p2 =	slt.u32 s8, $0xFFFFF086  }
0x1c: {  	p1 =	slt.u32 s9, $0xF7A;
	s5 =	simm.s32 @!p2 $0x0  }
0x1d: {  	s5 =	simm.s32 @p1 $0x1;
	p0 =	seq.s32 s7, s2  }
0x1e: {  	s7 =	smul.u32 @!p0 $0xF7A, s2;
	p2 =	seq.s32 @!p0 s5, $0x0  }
0x1f: {  	s9 =	smul.u32 $0xF7A, s1;
	s8 =	simm.s32 @!p0 $0x1BF5;
	p2 =	por !p2, p0  }
0x20: {  	[sflag:s8] =	ssyncset.s32 @!p0 $0xFFFFF086;
	s6 =	sadd.s32 @!p0 s3, s7;
	s7 =	simm.s32 @!p0 $0x108  }
0x21: {  	s3 =	sadd.s32 s3, s9;
	s6 =	sadd.s32 @!p0 $0x88, s6;
	s7 =	simm.s32 @p2 $0x1082  }
0x22: {  	[simem:s7], [sflag:s8] =	dma.local @!p0 [hbm:s6], $0xF7A  }
0x23: {  	s9 =	sor.u32 $0xD0000000, s2;
	s6 =	simm.s32 $0x108;
	_ =	swait.ge @!p0 [sflag:s8], $0x0  }
0x24: {  	s3 =	sadd.s32 $0x88, s3;
	s6 =	simm.s32 @!p1 $0x1082;
	[sflag:s4] =	ssyncset.s32 $0xFFFFF086  }
0x25: {  	[simem:s6], [sflag:s4] =	dma.local [hbm:s3], $0xF7A  }
0x26: {  	[smem:$0x3F9A] =	sst s1;
	(tag) =	ssettag s2;
	_ =	strace s9  }
0x27: {  	s1 =	sld [smem:$0x3FAA]  }
0x28: {  	s2 =	sld [smem:$0x3FAB]  }
0x29: {  	s4 =	sld [smem:$0x3FAD]  }
0x2a: {  	p0 =	seq.s32 s5, $0x0;
	s5 =	sld [smem:$0x3FAE]  }
0x2b: {  	s6 =	sld [smem:$0x3FAF]  }
0x2c: {  	s7 =	sld [smem:$0x3FB0]  }
0x2d: {  	s3 =	simm.s32 $0x108;
	s8 =	sld [smem:$0x3FB1]  }
0x2e: {  	s3 =	simm.s32 @!p0 $0x1082;
	s9 =	sld [smem:$0x3FB2]  }
0x2f: {  	lr =	sadd.s32 s0, s3;
	s0 =	sld [smem:$0x3FA9]  }
0x30: {  	s3 =	sld [smem:$0x3FAC]  }
0x31: {  	[smem:$0x3FB5] =	sst s10  }
0x32: {  	s10 =	sld [smem:$0x3FB3];
	_ =	sdelay $0x3  }
0x33: {  	p0 =	seq.s32 s10, $0x1;
	s10 =	sld [smem:$0x3FB5];
	_ =	sdelay $0x3  }
0x34: {  	[smem:$0x3FB5] =	sst s10  }
0x35: {  	s10 =	sld [smem:$0x3FB4];
	_ =	sdelay $0x3  }
0x36: {  	p1 =	seq.s32 s10, $0x1;
	s10 =	sld [smem:$0x3FB5];
	_ =	sdelay $0x3  }
0x37: {  	[smem:$0x3FB5] =	sst s10  }
0x38: {  	s10 =	sld [smem:$0x3FB6]  }
0x39: {  	_ = 	snop;
	(pc) =	sbr.ind lr, $3  }
0x3a: {  	_ = 	snop  }
0x3b: {  	_ = 	snop  }
0x3c: {  	p2 =	seq.s32 s10, $0x1;
	s10 =	sld [smem:$0x3FB5]  }
0x3d: {  	_ =	shalt  }
0x3e: {  	_ =	shalt  }
0x3f: {  	_ =	shalt  }
0x40: {  	_ =	shalt  }
0x41: {  	_ =	shalt  }
0x42: {  	_ =	shalt  }
0x43: {  	_ =	shalt  }
0x44: {  	_ =	shalt  }
0x45: {  	_ =	shalt  }
0x46: {  	_ =	shalt  }
0x47: {  	_ =	shalt  }
0x48: {  	_ =	shalt  }
0x49: {  	_ =	shalt  }
0x4a: {  	_ =	shalt  }
0x4b: {  	_ =	shalt  }
0x4c: {  	_ =	shalt  }
0x4d: {  	_ =	shalt  }
0x4e: {  	_ =	shalt  }
0x4f: {  	_ =	shalt  }
0x50: {  	_ =	shalt  }
0x51: {  	_ =	shalt  }
0x52: {  	_ =	shalt  }
0x53: {  	_ =	shalt  }
0x54: {  	_ =	shalt  }
0x55: {  	_ =	shalt  }
0x56: {  	_ =	shalt  }
0x57: {  	_ =	shalt  }
0x58: {  	_ =	shalt  }
0x59: {  	_ =	shalt  }
0x5a: {  	_ =	shalt  }
0x5b: {  	_ =	shalt  }
0x5c: {  	_ =	shalt  }
0x5d: {  	_ =	shalt  }
0x5e: {  	_ =	shalt  }
0x5f: {  	_ =	shalt  }
0x60: {  	_ =	shalt  }
0x61: {  	_ =	shalt  }
0x62: {  	_ =	shalt  }
0x63: {  	_ =	shalt  }
0x64: {  	_ =	shalt  }
0x65: {  	_ =	shalt  }
0x66: {  	_ =	shalt  }
0x67: {  	_ =	shalt  }
0x68: {  	_ =	shalt  }
0x69: {  	_ =	shalt  }
0x6a: {  	_ =	shalt  }
0x6b: {  	_ =	shalt  }
0x6c: {  	_ =	shalt  }
0x6d: {  	_ =	shalt  }
0x6e: {  	_ =	shalt  }
0x6f: {  	_ =	shalt  }
0x70: {  	_ =	shalt  }
0x71: {  	_ =	shalt  }
0x72: {  	_ =	shalt  }
0x73: {  	_ =	shalt  }
0x74: {  	_ =	shalt  }
0x75: {  	_ =	shalt  }
0x76: {  	_ =	shalt  }
0x77: {  	_ =	shalt  }
0x78: {  	_ =	shalt  }
0x79: {  	_ =	shalt  }
0x7a: {  	_ =	shalt  }
0x7b: {  	_ =	shalt  }
0x7c: {  	_ =	shalt  }
0x7d: {  	_ =	shalt  }
0x7e: {  	_ =	shalt  }
0x7f: {  	_ =	shalt  }
0x80: {  	_ =	shalt  }
0x81: {  	_ =	shalt  }
0x82: {  	_ =	shalt  }
0x83: {  	_ =	shalt  }
0x84: {  	_ =	shalt  }
0x85: {  	_ =	shalt  }
0x86: {  	_ =	shalt  }
0x87: {  	_ =	shalt  }
.Lfunc_end0:
.L_simem_size_0:
called_computation_lowered:
.L_overlay_start_0:
0x88: {  	s2 =	sld [smem:$0x3FD9]  }
0x89: {  	s3 =	sld [smem:$0x3FFE];
	_ =	sdelay $0x1  }
0x8a: {  	s1 =	srdreg.scid  }
0x8b: {  	s0 =	sand.u32 $0x1, s1  }
0x8c: {  	s14 =	sshll.u32 s0, $0xA;
	s2 =	sadd.s32 s3, s2  }
0x8d: {  	s2 =	sadd.s32 s2, s14  }
0x8e: {  	[smem:$0x3FC1] =	sst s2  }
0x8f: {  	_ = 	snop  }
0x90: {  	s2 =	sld [smem:$0x3FD0];
	_ =	sdelay $0x2  }
0x91: {  	s4 =	simm.s32 $0xA;
	s5 =	simm.s32 $0x10;
	s15 =	sld [smem:$0x3FC3]  }
0x92: {  	[smem:s5], [sflag:s4] =	dma.local [hbm:s2], $0x1  }
0x93: {  	_ =	swait.eq [sflag:s4], $0x1  }
0x94: {  	s16 =	sld [smem:$0x10];
	[sflag:s4] =	ssyncset.done $0x0  }
0x95: {  	s17 =	sld [smem:$0x11];
	[sflag:s4] =	ssyncadd.s32 $0xFFFFFFFF  }
0x96: {  	s18 =	sld [smem:$0x12];
	(tm) =	ssettm $0x1  }
0x97: {  	s6 =	sld [smem:$0x3FFB];
	_ =	sdelay $0x3  }
0x98: {  	_ =	strace s6  }
0x99: {  	s6 =	sld [smem:$0x3FFC];
	_ =	sdelay $0x3  }
0x9a: {  	_ =	strace s6  }
0x9b: {  	s6 =	sld [smem:$0x3FFD];
	_ =	sdelay $0x3  }
0x9c: {  	_ =	strace s6  }
0x9d: {  	_ =	strace $0x8FFFFFFF  }
0x9e: {  	s19 =	sld [smem:$0x3FDB];
	_ =	sdelay $0x1  }
0x9f: {  	s7 =	simm.s32 $_scs_section_size  }
0xa0: {  	s8 =	simm.s32 $_size__tile_overlayer_lowered;
	s9 =	simm.s32 $_tile_overlayer_lowered  }
0xa1: {  	s22 =	simm.s32 $0x1BFF;
	s21 =	sshll.u32 s9, $0x1;
	s6 =	sadd.s32 s7, s19  }
0xa2: {  	s10 =	simm.s32 $0x0;
	s20 =	sshll.u32 s8, $0x1;
	s8 =	sadd.s32 s21, s6  }
0xa3: {  	[timem:s10], [sflag:s22] =	dma.local [hbm:s8], s20  }
0xa4: {  	_ =	swait.ge [sflag:s22], s20  }
0xa5: {  	s7 =	ssub.s32 $0x0, s20;
	[sflag:s22] =	ssyncset.done $0x0  }
0xa6: {  	[sflag:s22] =	ssyncadd.s32 s7;
	_ =	sdelay $0x1  }
0xa7: {  	s23 =	simm.s32 $0x1B8B  }
0xa8: {  	_ =	swait.ge [sflag:s23], $0x1  }
0xa9: {  	[sflag:s23] =	ssyncset.done $0x0  }
0xaa: {  	s25 =	simm.s32 $0x1B8E;
	s24 =	sld [smem:$0x3FFE];
	[sflag:s23] =	ssyncadd.s32 $0xFFFFFFFF  }
0xab: {  	s26 =	simm.s32 $execute0_lowered;
	[smem:$0x3FD2] =	sst s25  }
0xac: {  	s8 =	sshll.u32 s26, $0x1;
	_ =	strace $0x80000046;
	[dreg:$0x1] =	wrdreg $0xFFFFFFFF  }
0xad: {  	s28 =	simm.s32 $_size_execute0_lowered;
	s6 =	sadd.s32 s6, s8;
	[dreg:$0x0] =	wrdreg $0x0  }
0xae: {  	s8 =	sshll.u32 s28, $0x1;
	[dreg:$0x2] =	wrdreg s6  }
0xaf: {  	[dreg:$0x3] =	wrdreg s8  }
0xb0: {  	[dreg:$0x4] =	wrdreg $0xC0  }
0xb1: {  	_ =	task [dreg:s10], $0x5FFFF  }
0xb2: {  	[dreg:$0x1] =	wrdreg $0xFFFFFFFF  }
0xb3: {  	[dreg:$0x0] =	wrdreg $0x60  }
0xb4: {  	[dreg:$0x2] =	wrdreg s24  }
0xb5: {  	[dreg:$0x3] =	wrdreg s16  }
0xb6: {  	[dreg:$0x4] =	wrdreg s17  }
0xb7: {  	[dreg:$0x5] =	wrdreg s15  }
0xb8: {  	[dreg:$0x6] =	wrdreg s18  }
0xb9: {  	[dreg:$0x7] =	wrdreg $0x9  }
0xba: {  	_ =	task.clear_ibuf [dreg:s10], $0x8FFFF;
	_ =	strace $0x90000046  }
0xbb: {  	s29 =	simm.s32 $0x9;
	_ =	strace $0x80000048  }
0xbc: {  	_ =	swait.ge [sflag:s29], $0x1  }
0xbd: {  	[sflag:s29] =	ssyncadd.s32 $0xFFFFFFFF  }
0xbe: {  	_ =	strace $0x90000048  }
0xbf: {  	_ =	sfence  }
0xc0: {  	s30 =	sld [smem:$0x0];
	_ =	sdelay $0x2  }
0xc1: {  	s31 =	sshll.u32 s1, $0xD;
	s1 =	sshrl.u32 s1, $0x2  }
0xc2: {  	s3 =	sand.u32 $0x4000, s31;
	s1 =	sadd.s32 s1, s30  }
0xc3: {  	s0 =	sor.u32 s3, s0;
	s1 =	sshll.u32 s1, $0x11  }
0xc4: {  	s0 =	sor.u32 s1, s0  }
0xc5: {  	s0 =	sadd.s32 $0x8F2B, s0  }
0xc6: {  	[sflag:s0] =	ssyncadd.remote.s32 $0x1  }
0xc7: {  	_ =	sfence.sel $0xFFFF  }
0xc8: {  	[dreg:$0x0] =	wrdreg $0xFFFFFFFF;
	(pc) =	sbr.abs _section_cstart, $3  }
0xc9: {  	[dreg:$0x1] =	wrdreg $0xFFFFFFFF  }
0xca: {  	_ =	task.clear_ibuf [dreg:s10], $0x2FFFF;
	_ =	strace $0x9FFFFFFF  }
0xcb: {  	(tm) =	ssettm $0x7FFFFFFF  }
tec
execute0_lowered:
.L_overlay_start_1:
0x0: {  	(tag) =	ssettag $0x1  }
0x1: {  	s0 =	rddreg [dreg:$0x0]  }
0x2: {  	s25 =	rddreg [dreg:$0x1]  }
0x3: {  	s2 =	rddreg [dreg:$0x3]  }
0x4: {  	s1 =	rddreg [dreg:$0x4];
	s4 =	simm.s32 $0x0  }
0x5: {  	[smem:$0x7FF] =	sst s4;
	s21 =	sadd.s32 $0x197A00, s0  }
0x6: {  	s22 =	sadd.s32 $0xC00, s0;
	_ =	strace $0x80000047;
	[dreg:$0x18] =	wrdreg s21  }
0x7: {  	s26 =	sadd.s32 $0x100, s25;
	[dreg:$0x16] =	wrdreg s22  }
0x8: {  	s28 =	sadd.s32 $0x200, s25;
	[dreg:$0x19] =	wrdreg s26  }
0x9: {  	s29 =	sadd.s32 $0x300, s25;
	[dreg:$0x1a] =	wrdreg s28  }
0xa: {  	s30 =	sadd.s32 $0x400, s25;
	[dreg:$0x1b] =	wrdreg s29  }
0xb: {  	s31 =	sadd.s32 $0x500, s25;
	[dreg:$0x1c] =	wrdreg s30  }
0xc: {  	s10 =	sadd.s32 $0x700, s25;
	[dreg:$0x1d] =	wrdreg s31  }
0xd: {  	s18 =	sadd.s32 $0x197F00, s0;
	[dreg:$0x1f] =	wrdreg s10  }
0xe: {  	s3 =	srdreg.scid;
	[smem:$0x7F3] =	sst s18;
	s21 =	sadd.s32 $0x198000, s0  }
0xf: {  	s5 =	stileid.u32;
	s22 =	sadd.s32 $0x198100, s0;
	[smem:$0x7F4] =	sst s21  }
0x10: {  	s3 =	sand.u32 $0x1, s3;
	s26 =	sadd.s32 $0x198400, s0;
	[smem:$0x7F5] =	sst s22  }
0x11: {  	s6 =	sshll.u32 s5, $0x5;
	s28 =	sadd.s32 $0x800, s25;
	[smem:$0x7F8] =	sst s26  }
0x12: {  	s7 =	sshll.u32 s3, $0x4;
	s29 =	sadd.s32 $0x900, s25;
	[smem:$0x7FA] =	sst s28  }
0x13: {  	s3 =	ssub.s32 $0x2, s3;
	s30 =	sadd.s32 $0xA00, s25;
	[smem:$0x7FB] =	sst s29  }
0x14: {  	s31 =	sadd.s32 $0xB00, s25;
	s6 =	sor.u32 s7, s6;
	[smem:$0x7FC] =	sst s30  }
0x15: {  	s8 =	sshrl.u32 s3, $0x1;
	[smem:$0x7FD] =	sst s31;
	s23 =	sadd.s32 s2, s6  }
0x16: {  	s24 =	sadd.s32 s1, s6;
	s3 =	ssub.s32 s3, s8;
	[dreg:$0x6] =	wrdreg s23  }
0x17: {  	s12 =	sor.u32 $0x2, s6;
	s8 =	sadd.s32 $0x600, s25;
	[dreg:$0x7] =	wrdreg s24  }
0x18: {  	s13 =	sadd.s32 s2, s12;
	[dreg:$0x1e] =	wrdreg s8  }
0x19: {  	s14 =	sor.u32 $0x4, s6;
	s7 =	sadd.s32 s1, s12;
	[dreg:$0x8] =	wrdreg s13  }
0x1a: {  	s9 =	sadd.s32 s2, s14;
	[dreg:$0x9] =	wrdreg s7  }
0x1b: {  	s15 =	sor.u32 $0x6, s6;
	s14 =	sadd.s32 s1, s14;
	[dreg:$0xa] =	wrdreg s9  }
0x1c: {  	s11 =	sadd.s32 s2, s15;
	[dreg:$0xb] =	wrdreg s14  }
0x1d: {  	s12 =	sadd.s32 $0x197B00, s0;
	[dreg:$0xc] =	wrdreg s11  }
0x1e: {  	s20 =	sor.u32 $0xC, s6;
	s15 =	sadd.s32 s1, s15;
	[smem:$0x7EF] =	sst s12  }
0x1f: {  	s19 =	sadd.s32 s2, s20;
	[dreg:$0xd] =	wrdreg s15  }
0x20: {  	s20 =	sadd.s32 s1, s20;
	[dreg:$0x12] =	wrdreg s19  }
0x21: {  	s23 =	sadd.s32 $0x198200, s0;
	[dreg:$0x13] =	wrdreg s20  }
0x22: {  	s16 =	sor.u32 $0x8, s6;
	s24 =	sadd.s32 $0x198300, s0;
	[smem:$0x7F6] =	sst s23  }
0x23: {  	s13 =	sadd.s32 s2, s16;
	[smem:$0x7F7] =	sst s24  }
0x24: {  	s14 =	sadd.s32 $0x197C00, s0;
	[dreg:$0xe] =	wrdreg s13  }
0x25: {  	s17 =	sor.u32 $0xA, s6;
	s16 =	sadd.s32 s1, s16;
	[smem:$0x7F0] =	sst s14  }
0x26: {  	s15 =	sadd.s32 s2, s17;
	[dreg:$0xf] =	wrdreg s16  }
0x27: {  	s6 =	sor.u32 $0xE, s6;
	s17 =	sadd.s32 s1, s17;
	[dreg:$0x10] =	wrdreg s15  }
0x28: {  	s2 =	sadd.s32 s2, s6;
	[dreg:$0x11] =	wrdreg s17  }
0x29: {  	s1 =	sadd.s32 s1, s6;
	[dreg:$0x14] =	wrdreg s2  }
0x2a: {  	s16 =	sadd.s32 $0x197D00, s0;
	[dreg:$0x15] =	wrdreg s1  }
0x2b: {  	v2 =	vlaneseq.u32;
	s25 =	simm.s32 $0x1;
	s17 =	sadd.s32 $0x197E00, s0;
	[smem:$0x7F1] =	sst s16  }
0x2c: {  	vm0 =	vmmov $0xffff;
	v1 =	vshrl.u32 v2, $0x3;
	s12 =	simm.s32 $0x3;
	s0 =	sadd.s32 $0x198500, s0;
	[smem:$0x7F2] =	sst s17  }
0x2d: {  	v0 =	vand.u32 $0x7, v2;
	v2 =	vor.u32 $0x8, v2;
	v1 =	vmul.u32 $0x8, v1;
	s6 =	simm.s32 $0x2;
	[smem:$0x7F9] =	sst s0;
	s0 =	smax.u32 s3, $0x1  }
.LBB2_1:
0x2e: {  	[dreg:$0x17] =	wrdreg s0  }
0x2f: {  	s1 =	rddreg [dreg:$0x6]  }
0x30: {  	[tilespmem:s4], [sflag:$0x3] =	stream.linear.gather [hbm4b:s1+s4], $0x10, $0x38;
	[tilespmem:$0xC900] =	vst v63  }
0x31: {  	_ =	swait.ge [sflag:s12], $0x10  }
0x32: {  	[sflag:s12] =	ssyncset.done $0x0  }
0x33: {  	s11 =	simm.s32 $0x80;
	s10 =	rddreg [dreg:$0x7];
	[sflag:s12] =	ssyncadd.s32 $0xFFFFFFF0  }
0x34: {  	[tilespmem:s11], [sflag:$0x3] =	stream.linear.gather [hbm4b:s10+s4], $0x10, $0x38;
	[tilespmem:$0xC900] =	vst v63  }
0x35: {  	_ =	swait.ge [sflag:s12], $0x10  }
0x36: {  	[sflag:s12] =	ssyncset.done $0x0  }
0x37: {  	[sflag:s12] =	ssyncadd.s32 $0xFFFFFFF0  }
0x38: {  	v3 =	vld [tilespmem:$0x80];
	_ =	sdelay $0x4  }
0x39: {  	v4 =	vshrl.u32 v3, $0x3  }
0x3a: {  	v4 =	vmul.u32 $0xC0, v4  }
0x3b: {  	v3 =	vand.u32 $0x7, v3  }
0x3c: {  	v3 =	vor.u32 v3, v4  }
0x3d: {  	v4 =	vperm.xlane v3, v0;
	_ =	sdelay $0x1  }
0x3e: {  	v4 =	vadd.s32 v1, v4;
	_ =	sdelay $0x2  }
0x3f: {  	s15 =	rddreg [dreg:$0x19]  }
0x40: {  	s13 =	simm.s32 $0x100;
	s2 =	rddreg [dreg:$0x1]  }
0x41: {  	[tilespmem:s13], [sflag:$0x1] =	stream.indirect_vreg.gather [hbm4b:s2+s4], $0x80, v4, vm0, $0xb8;
	[tilespmem:$0xC900] =	vst v63  }
0x42: {  	s14 =	simm.s32 $0x900;
	s17 =	rddreg [dreg:$0x1a]  }
0x43: {  	[tilespmem:s14], [sflag:$0x1] =	stream.indirect_vreg.gather [hbm4b:s15+s4], $0x80, v4, vm0, $0xb8;
	[tilespmem:$0xC900] =	vst v63  }
0x44: {  	s16 =	simm.s32 $0x1100;
	s0 =	rddreg [dreg:$0x1b]  }
0x45: {  	[tilespmem:s16], [sflag:$0x1] =	stream.indirect_vreg.gather [hbm4b:s17+s4], $0x80, v4, vm0, $0xb8;
	[tilespmem:$0xC900] =	vst v63  }
0x46: {  	s18 =	simm.s32 $0x1900;
	s31 =	rddreg [dreg:$0x1c]  }
0x47: {  	[tilespmem:s18], [sflag:$0x1] =	stream.indirect_vreg.gather [hbm4b:s0+s4], $0x80, v4, vm0, $0xb8;
	[tilespmem:$0xC900] =	vst v63  }
0x48: {  	s19 =	simm.s32 $0x2100;
	s9 =	rddreg [dreg:$0x1d]  }
0x49: {  	[tilespmem:s19], [sflag:$0x1] =	stream.indirect_vreg.gather [hbm4b:s31+s4], $0x80, v4, vm0, $0xb8;
	[tilespmem:$0xC900] =	vst v63  }
0x4a: {  	s20 =	simm.s32 $0x2900;
	s28 =	sld [smem:$0x7FA]  }
0x4b: {  	[tilespmem:s20], [sflag:$0x1] =	stream.indirect_vreg.gather [hbm4b:s9+s4], $0x80, v4, vm0, $0xb8;
	[tilespmem:$0xC900] =	vst v63  }
0x4c: {  	s21 =	simm.s32 $0x3100;
	s13 =	rddreg [dreg:$0x1e]  }
0x4d: {  	[tilespmem:s21], [sflag:$0x1] =	stream.indirect_vreg.gather [hbm4b:s13+s4], $0x80, v4, vm0, $0xb8;
	[tilespmem:$0xC900] =	vst v63  }
0x4e: {  	s22 =	simm.s32 $0x3900;
	s14 =	rddreg [dreg:$0x1f]  }
0x4f: {  	[tilespmem:s22], [sflag:$0x1] =	stream.indirect_vreg.gather [hbm4b:s14+s4], $0x80, v4, vm0, $0xb8;
	[tilespmem:$0xC900] =	vst v63  }
0x50: {  	s23 =	simm.s32 $0x4100;
	s29 =	sld [smem:$0x7FB]  }
0x51: {  	[tilespmem:s23], [sflag:$0x1] =	stream.indirect_vreg.gather [hbm4b:s28+s4], $0x80, v4, vm0, $0xb8;
	[tilespmem:$0xC900] =	vst v63  }
0x52: {  	s24 =	simm.s32 $0x4900;
	s30 =	sld [smem:$0x7FC];
	v3 =	vperm.xlane v3, v2  }
0x53: {  	[tilespmem:s24], [sflag:$0x1] =	stream.indirect_vreg.gather [hbm4b:s29+s4], $0x80, v4, vm0, $0xb8;
	[tilespmem:$0xC900] =	vst v63  }
0x54: {  	s26 =	simm.s32 $0x5100;
	s5 =	sld [smem:$0x7FD];
	v3 =	vadd.s32 v1, v3  }
0x55: {  	[tilespmem:s26], [sflag:$0x1] =	stream.indirect_vreg.gather [hbm4b:s30+s4], $0x80, v4, vm0, $0xb8;
	[tilespmem:$0xC900] =	vst v63  }
0x56: {  	s3 =	simm.s32 $0x5900  }
0x57: {  	[tilespmem:s3], [sflag:$0x1] =	stream.indirect_vreg.gather [hbm4b:s5+s4], $0x80, v4, vm0, $0xb8;
	[tilespmem:$0xC900] =	vst v63  }
0x58: {  	s7 =	simm.s32 $0x6100  }
0x59: {  	[tilespmem:s7], [sflag:$0x1] =	stream.indirect_vreg.gather [hbm4b:s2+s4], $0x80, v3, vm0, $0xb8;
	[tilespmem:$0xC900] =	vst v63  }
0x5a: {  	s10 =	simm.s32 $0x6900;
	s8 =	smov.u32 s15  }
0x5b: {  	[tilespmem:s10], [sflag:$0x1] =	stream.indirect_vreg.gather [hbm4b:s8+s4], $0x80, v3, vm0, $0xb8;
	[tilespmem:$0xC900] =	vst v63  }
0x5c: {  	s11 =	smov.u32 s17;
	s15 =	simm.s32 $0x7100  }
0x5d: {  	[tilespmem:s15], [sflag:$0x1] =	stream.indirect_vreg.gather [hbm4b:s11+s4], $0x80, v3, vm0, $0xb8;
	[tilespmem:$0xC900] =	vst v63  }
0x5e: {  	s16 =	simm.s32 $0x7900  }
0x5f: {  	[tilespmem:s16], [sflag:$0x1] =	stream.indirect_vreg.gather [hbm4b:s0+s4], $0x80, v3, vm0, $0xb8;
	[tilespmem:$0xC900] =	vst v63  }
0x60: {  	s0 =	simm.s32 $0x8100  }
0x61: {  	[tilespmem:s0], [sflag:$0x1] =	stream.indirect_vreg.gather [hbm4b:s31+s4], $0x80, v3, vm0, $0xb8;
	[tilespmem:$0xC900] =	vst v63  }
0x62: {  	s2 =	simm.s32 $0x8900  }
0x63: {  	[tilespmem:s2], [sflag:$0x1] =	stream.indirect_vreg.gather [hbm4b:s9+s4], $0x80, v3, vm0, $0xb8;
	[tilespmem:$0xC900] =	vst v63  }
0x64: {  	s3 =	simm.s32 $0x9100  }
0x65: {  	[tilespmem:s3], [sflag:$0x1] =	stream.indirect_vreg.gather [hbm4b:s13+s4], $0x80, v3, vm0, $0xb8;
	[tilespmem:$0xC900] =	vst v63  }
0x66: {  	s7 =	simm.s32 $0x9900  }
0x67: {  	[tilespmem:s7], [sflag:$0x1] =	stream.indirect_vreg.gather [hbm4b:s14+s4], $0x80, v3, vm0, $0xb8;
	[tilespmem:$0xC900] =	vst v63  }
0x68: {  	s10 =	simm.s32 $0xA100  }
0x69: {  	[tilespmem:s10], [sflag:$0x1] =	stream.indirect_vreg.gather [hbm4b:s28+s4], $0x80, v3, vm0, $0xb8;
	[tilespmem:$0xC900] =	vst v63  }
0x6a: {  	s15 =	simm.s32 $0xA900  }
0x6b: {  	[tilespmem:s15], [sflag:$0x1] =	stream.indirect_vreg.gather [hbm4b:s29+s4], $0x80, v3, vm0, $0xb8;
	[tilespmem:$0xC900] =	vst v63  }
0x6c: {  	s16 =	simm.s32 $0xB100  }
0x6d: {  	[tilespmem:s16], [sflag:$0x1] =	stream.indirect_vreg.gather [hbm4b:s30+s4], $0x80, v3, vm0, $0xb8;
	[tilespmem:$0xC900] =	vst v63  }
0x6e: {  	s1 =	rddreg [dreg:$0x2];
	s0 =	simm.s32 $0xB900  }
0x6f: {  	[tilespmem:s0], [sflag:$0x1] =	stream.indirect_vreg.gather [hbm4b:s5+s4], $0x80, v3, vm0, $0xb8;
	[tilespmem:$0xC900] =	vst v63  }
0x70: {  	s2 =	simm.s32 $0xC100;
	s3 =	simm.s32 $0x10;
	s7 =	simm.s32 $0x80  }
0x71: {  	[tilespmem:s2], [sflag:$0x1] =	stream.indirect.gather [hbm4b:s1+s3], $0x80, s7, s3, $0xb8;
	[tilespmem:$0xC900] =	vst v63  }
0x72: {  	_ =	swait.ge [sflag:s25], $0xC000  }
0x73: {  	[sflag:s25] =	ssyncset.done $0x0  }
0x74: {  	[sflag:s25] =	ssyncadd.s32 $0xFFFF4000  }
0x75: {  	_ =	swait.ge [sflag:s25], $0x800  }
0x76: {  	[sflag:s25] =	ssyncset.done $0x0  }
0x77: {  	[sflag:s25] =	ssyncadd.s32 $0xFFFFF800  }
0x78: {  	v3 =	vld [tilespmem:$0x0];
	_ =	sdelay $0x4  }
0x79: {  	v49 =	vshrl.u32 v3, $0x3  }
0x7a: {  	v4 =	vmul.u32 $0xC0, v49  }
0x7b: {  	v3 =	vand.u32 $0x7, v3  }
0x7c: {  	v3 =	vor.u32 v3, v4  }
0x7d: {  	v4 =	vperm.xlane v3, v0;
	_ =	sdelay $0x1  }
0x7e: {  	v4 =	vadd.s32 v1, v4;
	_ =	sdelay $0x2  }
0x7f: {  	s7 =	rddreg [dreg:$0x18]  }
0x80: {  	s3 =	simm.s32 $0x100;
	s15 =	sld [smem:$0x7EF]  }
0x81: {  	[hbm4b:s7+s4] =	stream.indirect_vreg.scatter [tilespmem:s3], [sflag:$0x2], $0x80, v4, vm0, $0xb8;
	[tilespmem:$0xC900] =	vst v63  }
0x82: {  	s2 =	simm.s32 $0x900;
	s16 =	sld [smem:$0x7F0]  }
0x83: {  	[hbm4b:s15+s4] =	stream.indirect_vreg.scatter [tilespmem:s2], [sflag:$0x2], $0x80, v4, vm0, $0xb8;
	[tilespmem:$0xC900] =	vst v63  }
0x84: {  	s17 =	simm.s32 $0x1100  }
0x85: {  	[hbm4b:s16+s4] =	stream.indirect_vreg.scatter [tilespmem:s17], [sflag:$0x2], $0x80, v4, vm0, $0xb8;
	[tilespmem:$0xC900] =	vst v63  }
0x86: {  	s17 =	sld [smem:$0x7F1];
	_ =	sdelay $0x1  }
0x87: {  	s18 =	simm.s32 $0x1900  }
0x88: {  	[hbm4b:s17+s4] =	stream.indirect_vreg.scatter [tilespmem:s18], [sflag:$0x2], $0x80, v4, vm0, $0xb8;
	[tilespmem:$0xC900] =	vst v63  }
0x89: {  	s18 =	sld [smem:$0x7F2];
	_ =	sdelay $0x1  }
0x8a: {  	s19 =	simm.s32 $0x2100  }
0x8b: {  	[hbm4b:s18+s4] =	stream.indirect_vreg.scatter [tilespmem:s19], [sflag:$0x2], $0x80, v4, vm0, $0xb8;
	[tilespmem:$0xC900] =	vst v63  }
0x8c: {  	s19 =	sld [smem:$0x7F3];
	_ =	sdelay $0x1  }
0x8d: {  	s20 =	simm.s32 $0x2900  }
0x8e: {  	[hbm4b:s19+s4] =	stream.indirect_vreg.scatter [tilespmem:s20], [sflag:$0x2], $0x80, v4, vm0, $0xb8;
	[tilespmem:$0xC900] =	vst v63  }
0x8f: {  	s20 =	sld [smem:$0x7F4];
	_ =	sdelay $0x1  }
0x90: {  	s21 =	simm.s32 $0x3100  }
0x91: {  	[hbm4b:s20+s4] =	stream.indirect_vreg.scatter [tilespmem:s21], [sflag:$0x2], $0x80, v4, vm0, $0xb8;
	[tilespmem:$0xC900] =	vst v63  }
0x92: {  	s21 =	sld [smem:$0x7F5];
	_ =	sdelay $0x1  }
0x93: {  	s22 =	simm.s32 $0x3900  }
0x94: {  	[hbm4b:s21+s4] =	stream.indirect_vreg.scatter [tilespmem:s22], [sflag:$0x2], $0x80, v4, vm0, $0xb8;
	[tilespmem:$0xC900] =	vst v63  }
0x95: {  	s22 =	sld [smem:$0x7F6];
	_ =	sdelay $0x1  }
0x96: {  	s23 =	simm.s32 $0x4100  }
0x97: {  	[hbm4b:s22+s4] =	stream.indirect_vreg.scatter [tilespmem:s23], [sflag:$0x2], $0x80, v4, vm0, $0xb8;
	[tilespmem:$0xC900] =	vst v63  }
0x98: {  	s23 =	sld [smem:$0x7F7];
	_ =	sdelay $0x1  }
0x99: {  	s24 =	simm.s32 $0x4900  }
0x9a: {  	[hbm4b:s23+s4] =	stream.indirect_vreg.scatter [tilespmem:s24], [sflag:$0x2], $0x80, v4, vm0, $0xb8;
	[tilespmem:$0xC900] =	vst v63  }
0x9b: {  	s24 =	sld [smem:$0x7F8];
	_ =	sdelay $0x1  }
0x9c: {  	s26 =	simm.s32 $0x5100;
	v3 =	vperm.xlane v3, v2  }
0x9d: {  	[hbm4b:s24+s4] =	stream.indirect_vreg.scatter [tilespmem:s26], [sflag:$0x2], $0x80, v4, vm0, $0xb8;
	[tilespmem:$0xC900] =	vst v63  }
0x9e: {  	v3 =	vadd.s32 v1, v3;
	s26 =	sld [smem:$0x7F9];
	_ =	sdelay $0x1  }
0x9f: {  	s10 =	simm.s32 $0x5900  }
0xa0: {  	[hbm4b:s26+s4] =	stream.indirect_vreg.scatter [tilespmem:s10], [sflag:$0x2], $0x80, v4, vm0, $0xb8;
	[tilespmem:$0xC900] =	vst v63  }
0xa1: {  	s10 =	simm.s32 $0x6100  }
0xa2: {  	[hbm4b:s7+s4] =	stream.indirect_vreg.scatter [tilespmem:s10], [sflag:$0x2], $0x80, v3, vm0, $0xb8;
	[tilespmem:$0xC900] =	vst v63  }
0xa3: {  	s10 =	simm.s32 $0x6900  }
0xa4: {  	[hbm4b:s15+s4] =	stream.indirect_vreg.scatter [tilespmem:s10], [sflag:$0x2], $0x80, v3, vm0, $0xb8;
	[tilespmem:$0xC900] =	vst v63  }
0xa5: {  	s10 =	simm.s32 $0x7100  }
0xa6: {  	[hbm4b:s16+s4] =	stream.indirect_vreg.scatter [tilespmem:s10], [sflag:$0x2], $0x80, v3, vm0, $0xb8;
	[tilespmem:$0xC900] =	vst v63  }
0xa7: {  	s10 =	simm.s32 $0x7900  }
0xa8: {  	[hbm4b:s17+s4] =	stream.indirect_vreg.scatter [tilespmem:s10], [sflag:$0x2], $0x80, v3, vm0, $0xb8;
	[tilespmem:$0xC900] =	vst v63  }
0xa9: {  	s10 =	simm.s32 $0x8100  }
0xaa: {  	[hbm4b:s18+s4] =	stream.indirect_vreg.scatter [tilespmem:s10], [sflag:$0x2], $0x80, v3, vm0, $0xb8;
	[tilespmem:$0xC900] =	vst v63  }
0xab: {  	s10 =	simm.s32 $0x8900  }
0xac: {  	[hbm4b:s19+s4] =	stream.indirect_vreg.scatter [tilespmem:s10], [sflag:$0x2], $0x80, v3, vm0, $0xb8;
	[tilespmem:$0xC900] =	vst v63  }
0xad: {  	s10 =	simm.s32 $0x9100  }
0xae: {  	[hbm4b:s20+s4] =	stream.indirect_vreg.scatter [tilespmem:s10], [sflag:$0x2], $0x80, v3, vm0, $0xb8;
	[tilespmem:$0xC900] =	vst v63  }
0xaf: {  	s10 =	simm.s32 $0x9900  }
0xb0: {  	[hbm4b:s21+s4] =	stream.indirect_vreg.scatter [tilespmem:s10], [sflag:$0x2], $0x80, v3, vm0, $0xb8;
	[tilespmem:$0xC900] =	vst v63  }
0xb1: {  	s10 =	simm.s32 $0xA100  }
0xb2: {  	[hbm4b:s22+s4] =	stream.indirect_vreg.scatter [tilespmem:s10], [sflag:$0x2], $0x80, v3, vm0, $0xb8;
	[tilespmem:$0xC900] =	vst v63  }
0xb3: {  	s10 =	simm.s32 $0xA900  }
0xb4: {  	[hbm4b:s23+s4] =	stream.indirect_vreg.scatter [tilespmem:s10], [sflag:$0x2], $0x80, v3, vm0, $0xb8;
	[tilespmem:$0xC900] =	vst v63  }
0xb5: {  	s10 =	simm.s32 $0xB100  }
0xb6: {  	[hbm4b:s24+s4] =	stream.indirect_vreg.scatter [tilespmem:s10], [sflag:$0x2], $0x80, v3, vm0, $0xb8;
	[tilespmem:$0xC900] =	vst v63  }
0xb7: {  	s10 =	simm.s32 $0xB900  }
0xb8: {  	[hbm4b:s26+s4] =	stream.indirect_vreg.scatter [tilespmem:s10], [sflag:$0x2], $0x80, v3, vm0, $0xb8;
	[tilespmem:$0xC900] =	vst v63  }
0xb9: {  	s1 =	simm.s32 $0xC100;
	s0 =	rddreg [dreg:$0x16];
	s10 =	simm.s32 $0x10  }
0xba: {  	[hbm4b:s0+s10] =	stream.indirect.scatter [tilespmem:s1], [sflag:$0x2], $0x80, s4, s10, $0xb8;
	[tilespmem:$0xC900] =	vst v63  }
0xbb: {  	_ =	swait.ge [sflag:s6], $0xC000  }
0xbc: {  	[sflag:s6] =	ssyncset.done $0x0  }
0xbd: {  	[sflag:s6] =	ssyncadd.s32 $0xFFFF4000  }
0xbe: {  	_ =	swait.ge [sflag:s6], $0x800  }
0xbf: {  	[sflag:s6] =	ssyncset.done $0x0  }
0xc0: {  	s10 =	rddreg [dreg:$0x8];
	[sflag:s6] =	ssyncadd.s32 $0xFFFFF800  }
0xc1: {  	[tilespmem:s4], [sflag:$0x3] =	stream.linear.gather [hbm4b:s10+s4], $0x10, $0x38;
	[tilespmem:$0xC900] =	vst v63  }
0xc2: {  	_ =	swait.ge [sflag:s12], $0x10  }
0xc3: {  	[sflag:s12] =	ssyncset.done $0x0  }
0xc4: {  	s10 =	simm.s32 $0x80;
	s0 =	rddreg [dreg:$0x9];
	[sflag:s12] =	ssyncadd.s32 $0xFFFFFFF0  }
0xc5: {  	[tilespmem:s10], [sflag:$0x3] =	stream.linear.gather [hbm4b:s0+s4], $0x10, $0x38;
	[tilespmem:$0xC900] =	vst v63  }
0xc6: {  	_ =	swait.ge [sflag:s12], $0x10  }
0xc7: {  	[sflag:s12] =	ssyncset.done $0x0  }
0xc8: {  	[sflag:s12] =	ssyncadd.s32 $0xFFFFFFF0  }
0xc9: {  	v3 =	vld [tilespmem:$0x80];
	_ =	sdelay $0x4  }
0xca: {  	v50 =	vshrl.u32 v3, $0x3  }
0xcb: {  	v4 =	vmul.u32 $0xC0, v50  }
0xcc: {  	v3 =	vand.u32 $0x7, v3  }
0xcd: {  	v3 =	vor.u32 v3, v4  }
0xce: {  	v4 =	vperm.xlane v3, v0;
	_ =	sdelay $0x1  }
0xcf: {  	v4 =	vadd.s32 v1, v4;
	_ =	sdelay $0x3  }
0xd0: {  	s0 =	rddreg [dreg:$0x1]  }
0xd1: {  	[tilespmem:s3], [sflag:$0x1] =	stream.indirect_vreg.gather [hbm4b:s0+s4], $0x80, v4, vm0, $0xb8;
	[tilespmem:$0xC900] =	vst v63  }
0xd2: {  	_ = 	snop  }
0xd3: {  	[tilespmem:s2], [sflag:$0x1] =	stream.indirect_vreg.gather [hbm4b:s8+s4], $0x80, v4, vm0, $0xb8;
	[tilespmem:$0xC900] =	vst v63  }
0xd4: {  	s10 =	simm.s32 $0x1100  }
0xd5: {  	[tilespmem:s10], [sflag:$0x1] =	stream.indirect_vreg.gather [hbm4b:s11+s4], $0x80, v4, vm0, $0xb8;
	[tilespmem:$0xC900] =	vst v63  }
0xd6: {  	s2 =	simm.s32 $0x1900;
	s10 =	rddreg [dreg:$0x1b]  }
0xd7: {  	[tilespmem:s2], [sflag:$0x1] =	stream.indirect_vreg.gather [hbm4b:s10+s4], $0x80, v4, vm0, $0xb8;
	[tilespmem:$0xC900] =	vst v63  }
0xd8: {  	s3 =	simm.s32 $0x2100  }
0xd9: {  	[tilespmem:s3], [sflag:$0x1] =	stream.indirect_vreg.gather [hbm4b:s31+s4], $0x80, v4, vm0, $0xb8;
	[tilespmem:$0xC900] =	vst v63  }
0xda: {  	s2 =	simm.s32 $0x2900  }
0xdb: {  	[tilespmem:s2], [sflag:$0x1] =	stream.indirect_vreg.gather [hbm4b:s9+s4], $0x80, v4, vm0, $0xb8;
	[tilespmem:$0xC900] =	vst v63  }
0xdc: {  	s3 =	simm.s32 $0x3100  }
0xdd: {  	[tilespmem:s3], [sflag:$0x1] =	stream.indirect_vreg.gather [hbm4b:s13+s4], $0x80, v4, vm0, $0xb8;
	[tilespmem:$0xC900] =	vst v63  }
0xde: {  	s2 =	simm.s32 $0x3900  }
0xdf: {  	[tilespmem:s2], [sflag:$0x1] =	stream.indirect_vreg.gather [hbm4b:s14+s4], $0x80, v4, vm0, $0xb8;
	[tilespmem:$0xC900] =	vst v63  }
0xe0: {  	s3 =	simm.s32 $0x4100  }
0xe1: {  	[tilespmem:s3], [sflag:$0x1] =	stream.indirect_vreg.gather [hbm4b:s28+s4], $0x80, v4, vm0, $0xb8;
	[tilespmem:$0xC900] =	vst v63  }
0xe2: {  	v3 =	vperm.xlane v3, v2;
	s2 =	simm.s32 $0x4900  }
0xe3: {  	[tilespmem:s2], [sflag:$0x1] =	stream.indirect_vreg.gather [hbm4b:s29+s4], $0x80, v4, vm0, $0xb8;
	[tilespmem:$0xC900] =	vst v63  }
0xe4: {  	v3 =	vadd.s32 v1, v3;
	s3 =	simm.s32 $0x5100  }
0xe5: {  	[tilespmem:s3], [sflag:$0x1] =	stream.indirect_vreg.gather [hbm4b:s30+s4], $0x80, v4, vm0, $0xb8;
	[tilespmem:$0xC900] =	vst v63  }
0xe6: {  	s2 =	simm.s32 $0x5900  }
0xe7: {  	[tilespmem:s2], [sflag:$0x1] =	stream.indirect_vreg.gather [hbm4b:s5+s4], $0x80, v4, vm0, $0xb8;
	[tilespmem:$0xC900] =	vst v63  }
0xe8: {  	s3 =	simm.s32 $0x6100  }
0xe9: {  	[tilespmem:s3], [sflag:$0x1] =	stream.indirect_vreg.gather [hbm4b:s0+s4], $0x80, v3, vm0, $0xb8;
	[tilespmem:$0xC900] =	vst v63  }
0xea: {  	s2 =	simm.s32 $0x6900  }
0xeb: {  	[tilespmem:s2], [sflag:$0x1] =	stream.indirect_vreg.gather [hbm4b:s8+s4], $0x80, v3, vm0, $0xb8;
	[tilespmem:$0xC900] =	vst v63  }
0xec: {  	s3 =	simm.s32 $0x7100  }
0xed: {  	[tilespmem:s3], [sflag:$0x1] =	stream.indirect_vreg.gather [hbm4b:s11+s4], $0x80, v3, vm0, $0xb8;
	[tilespmem:$0xC900] =	vst v63  }
0xee: {  	s1 =	simm.s32 $0x7900  }
0xef: {  	[tilespmem:s1], [sflag:$0x1] =	stream.indirect_vreg.gather [hbm4b:s10+s4], $0x80, v3, vm0, $0xb8;
	[tilespmem:$0xC900] =	vst v63  }
0xf0: {  	s2 =	simm.s32 $0x8100  }
0xf1: {  	[tilespmem:s2], [sflag:$0x1] =	stream.indirect_vreg.gather [hbm4b:s31+s4], $0x80, v3, vm0, $0xb8;
	[tilespmem:$0xC900] =	vst v63  }
0xf2: {  	s3 =	simm.s32 $0x8900  }
0xf3: {  	[tilespmem:s3], [sflag:$0x1] =	stream.indirect_vreg.gather [hbm4b:s9+s4], $0x80, v3, vm0, $0xb8;
	[tilespmem:$0xC900] =	vst v63  }
0xf4: {  	s0 =	simm.s32 $0x9100  }
0xf5: {  	[tilespmem:s0], [sflag:$0x1] =	stream.indirect_vreg.gather [hbm4b:s13+s4], $0x80, v3, vm0, $0xb8;
	[tilespmem:$0xC900] =	vst v63  }
0xf6: {  	s2 =	simm.s32 $0x9900  }
0xf7: {  	[tilespmem:s2], [sflag:$0x1] =	stream.indirect_vreg.gather [hbm4b:s14+s4], $0x80, v3, vm0, $0xb8;
	[tilespmem:$0xC900] =	vst v63  }
0xf8: {  	s3 =	simm.s32 $0xA100  }
0xf9: {  	[tilespmem:s3], [sflag:$0x1] =	stream.indirect_vreg.gather [hbm4b:s28+s4], $0x80, v3, vm0, $0xb8;
	[tilespmem:$0xC900] =	vst v63  }
0xfa: {  	s0 =	simm.s32 $0xA900  }
0xfb: {  	[tilespmem:s0], [sflag:$0x1] =	stream.indirect_vreg.gather [hbm4b:s29+s4], $0x80, v3, vm0, $0xb8;
	[tilespmem:$0xC900] =	vst v63  }
0xfc: {  	s2 =	simm.s32 $0xB100  }
0xfd: {  	[tilespmem:s2], [sflag:$0x1] =	stream.indirect_vreg.gather [hbm4b:s30+s4], $0x80, v3, vm0, $0xb8;
	[tilespmem:$0xC900] =	vst v63  }
0xfe: {  	s1 =	rddreg [dreg:$0x2];
	s3 =	simm.s32 $0xB900  }
0xff: {  	[tilespmem:s3], [sflag:$0x1] =	stream.indirect_vreg.gather [hbm4b:s5+s4], $0x80, v3, vm0, $0xb8;
	[tilespmem:$0xC900] =	vst v63  }
0x100: {  	s0 =	simm.s32 $0x80;
	s2 =	simm.s32 $0xC100;
	s3 =	simm.s32 $0x10  }
0x101: {  	[tilespmem:s2], [sflag:$0x1] =	stream.indirect.gather [hbm4b:s1+s3], $0x80, s0, s3, $0xb8;
	[tilespmem:$0xC900] =	vst v63  }
0x102: {  	_ =	swait.ge [sflag:s25], $0xC000  }
0x103: {  	[sflag:s25] =	ssyncset.done $0x0  }
0x104: {  	[sflag:s25] =	ssyncadd.s32 $0xFFFF4000  }
0x105: {  	_ =	swait.ge [sflag:s25], $0x800  }
0x106: {  	[sflag:s25] =	ssyncset.done $0x0  }
0x107: {  	[sflag:s25] =	ssyncadd.s32 $0xFFFFF800  }
0x108: {  	v3 =	vld [tilespmem:$0x0];
	_ =	sdelay $0x4  }
0x109: {  	v51 =	vshrl.u32 v3, $0x3  }
0x10a: {  	v4 =	vmul.u32 $0xC0, v51  }
0x10b: {  	v3 =	vand.u32 $0x7, v3  }
0x10c: {  	v3 =	vor.u32 v3, v4  }
0x10d: {  	v4 =	vperm.xlane v3, v0;
	_ =	sdelay $0x1  }
0x10e: {  	v4 =	vadd.s32 v1, v4;
	_ =	sdelay $0x3  }
0x10f: {  	s0 =	simm.s32 $0x100  }
0x110: {  	[hbm4b:s7+s4] =	stream.indirect_vreg.scatter [tilespmem:s0], [sflag:$0x2], $0x80, v4, vm0, $0xb8;
	[tilespmem:$0xC900] =	vst v63  }
0x111: {  	s3 =	simm.s32 $0x900  }
0x112: {  	[hbm4b:s15+s4] =	stream.indirect_vreg.scatter [tilespmem:s3], [sflag:$0x2], $0x80, v4, vm0, $0xb8;
	[tilespmem:$0xC900] =	vst v63  }
0x113: {  	s0 =	simm.s32 $0x1100  }
0x114: {  	[hbm4b:s16+s4] =	stream.indirect_vreg.scatter [tilespmem:s0], [sflag:$0x2], $0x80, v4, vm0, $0xb8;
	[tilespmem:$0xC900] =	vst v63  }
0x115: {  	s3 =	simm.s32 $0x1900  }
0x116: {  	[hbm4b:s17+s4] =	stream.indirect_vreg.scatter [tilespmem:s3], [sflag:$0x2], $0x80, v4, vm0, $0xb8;
	[tilespmem:$0xC900] =	vst v63  }
0x117: {  	s0 =	simm.s32 $0x2100  }
0x118: {  	[hbm4b:s18+s4] =	stream.indirect_vreg.scatter [tilespmem:s0], [sflag:$0x2], $0x80, v4, vm0, $0xb8;
	[tilespmem:$0xC900] =	vst v63  }
0x119: {  	s3 =	simm.s32 $0x2900  }
0x11a: {  	[hbm4b:s19+s4] =	stream.indirect_vreg.scatter [tilespmem:s3], [sflag:$0x2], $0x80, v4, vm0, $0xb8;
	[tilespmem:$0xC900] =	vst v63  }
0x11b: {  	s0 =	simm.s32 $0x3100  }
0x11c: {  	[hbm4b:s20+s4] =	stream.indirect_vreg.scatter [tilespmem:s0], [sflag:$0x2], $0x80, v4, vm0, $0xb8;
	[tilespmem:$0xC900] =	vst v63  }
0x11d: {  	s3 =	simm.s32 $0x3900  }
0x11e: {  	[hbm4b:s21+s4] =	stream.indirect_vreg.scatter [tilespmem:s3], [sflag:$0x2], $0x80, v4, vm0, $0xb8;
	[tilespmem:$0xC900] =	vst v63  }
0x11f: {  	s0 =	simm.s32 $0x4100  }
0x120: {  	[hbm4b:s22+s4] =	stream.indirect_vreg.scatter [tilespmem:s0], [sflag:$0x2], $0x80, v4, vm0, $0xb8;
	[tilespmem:$0xC900] =	vst v63  }
0x121: {  	v3 =	vperm.xlane v3, v2;
	s3 =	simm.s32 $0x4900  }
0x122: {  	[hbm4b:s23+s4] =	stream.indirect_vreg.scatter [tilespmem:s3], [sflag:$0x2], $0x80, v4, vm0, $0xb8;
	[tilespmem:$0xC900] =	vst v63  }
0x123: {  	v3 =	vadd.s32 v1, v3;
	s0 =	simm.s32 $0x5100  }
0x124: {  	[hbm4b:s24+s4] =	stream.indirect_vreg.scatter [tilespmem:s0], [sflag:$0x2], $0x80, v4, vm0, $0xb8;
	[tilespmem:$0xC900] =	vst v63  }
0x125: {  	s3 =	simm.s32 $0x5900  }
0x126: {  	[hbm4b:s26+s4] =	stream.indirect_vreg.scatter [tilespmem:s3], [sflag:$0x2], $0x80, v4, vm0, $0xb8;
	[tilespmem:$0xC900] =	vst v63  }
0x127: {  	s0 =	simm.s32 $0x6100  }
0x128: {  	[hbm4b:s7+s4] =	stream.indirect_vreg.scatter [tilespmem:s0], [sflag:$0x2], $0x80, v3, vm0, $0xb8;
	[tilespmem:$0xC900] =	vst v63  }
0x129: {  	s3 =	simm.s32 $0x6900  }
0x12a: {  	[hbm4b:s15+s4] =	stream.indirect_vreg.scatter [tilespmem:s3], [sflag:$0x2], $0x80, v3, vm0, $0xb8;
	[tilespmem:$0xC900] =	vst v63  }
0x12b: {  	s0 =	simm.s32 $0x7100  }
0x12c: {  	[hbm4b:s16+s4] =	stream.indirect_vreg.scatter [tilespmem:s0], [sflag:$0x2], $0x80, v3, vm0, $0xb8;
	[tilespmem:$0xC900] =	vst v63  }
0x12d: {  	s3 =	simm.s32 $0x7900  }
0x12e: {  	[hbm4b:s17+s4] =	stream.indirect_vreg.scatter [tilespmem:s3], [sflag:$0x2], $0x80, v3, vm0, $0xb8;
	[tilespmem:$0xC900] =	vst v63  }
0x12f: {  	s1 =	simm.s32 $0x8100  }
0x130: {  	[hbm4b:s18+s4] =	stream.indirect_vreg.scatter [tilespmem:s1], [sflag:$0x2], $0x80, v3, vm0, $0xb8;
	[tilespmem:$0xC900] =	vst v63  }
0x131: {  	s3 =	simm.s32 $0x8900  }
0x132: {  	[hbm4b:s19+s4] =	stream.indirect_vreg.scatter [tilespmem:s3], [sflag:$0x2], $0x80, v3, vm0, $0xb8;
	[tilespmem:$0xC900] =	vst v63  }
0x133: {  	s1 =	simm.s32 $0x9100  }
0x134: {  	[hbm4b:s20+s4] =	stream.indirect_vreg.scatter [tilespmem:s1], [sflag:$0x2], $0x80, v3, vm0, $0xb8;
	[tilespmem:$0xC900] =	vst v63  }
0x135: {  	s3 =	simm.s32 $0x9900  }
0x136: {  	[hbm4b:s21+s4] =	stream.indirect_vreg.scatter [tilespmem:s3], [sflag:$0x2], $0x80, v3, vm0, $0xb8;
	[tilespmem:$0xC900] =	vst v63  }
0x137: {  	s1 =	simm.s32 $0xA100  }
0x138: {  	[hbm4b:s22+s4] =	stream.indirect_vreg.scatter [tilespmem:s1], [sflag:$0x2], $0x80, v3, vm0, $0xb8;
	[tilespmem:$0xC900] =	vst v63  }
0x139: {  	s3 =	simm.s32 $0xA900  }
0x13a: {  	[hbm4b:s23+s4] =	stream.indirect_vreg.scatter [tilespmem:s3], [sflag:$0x2], $0x80, v3, vm0, $0xb8;
	[tilespmem:$0xC900] =	vst v63  }
0x13b: {  	s1 =	simm.s32 $0xB100  }
0x13c: {  	[hbm4b:s24+s4] =	stream.indirect_vreg.scatter [tilespmem:s1], [sflag:$0x2], $0x80, v3, vm0, $0xb8;
	[tilespmem:$0xC900] =	vst v63  }
0x13d: {  	s3 =	simm.s32 $0xB900  }
0x13e: {  	[hbm4b:s26+s4] =	stream.indirect_vreg.scatter [tilespmem:s3], [sflag:$0x2], $0x80, v3, vm0, $0xb8;
	[tilespmem:$0xC900] =	vst v63  }
0x13f: {  	s2 =	simm.s32 $0xC100;
	s1 =	simm.s32 $0x10;
	s3 =	rddreg [dreg:$0x16]  }
0x140: {  	[hbm4b:s3+s1] =	stream.indirect.scatter [tilespmem:s2], [sflag:$0x2], $0x80, s4, s1, $0xb8;
	[tilespmem:$0xC900] =	vst v63  }
0x141: {  	_ =	swait.ge [sflag:s6], $0xC000  }
0x142: {  	[sflag:s6] =	ssyncset.done $0x0  }
0x143: {  	[sflag:s6] =	ssyncadd.s32 $0xFFFF4000  }
0x144: {  	_ =	swait.ge [sflag:s6], $0x800  }
0x145: {  	[sflag:s6] =	ssyncset.done $0x0  }
0x146: {  	s2 =	rddreg [dreg:$0xa];
	[sflag:s6] =	ssyncadd.s32 $0xFFFFF800  }
0x147: {  	[tilespmem:s4], [sflag:$0x3] =	stream.linear.gather [hbm4b:s2+s4], $0x10, $0x38;
	[tilespmem:$0xC900] =	vst v63  }
0x148: {  	_ =	swait.ge [sflag:s12], $0x10  }
0x149: {  	[sflag:s12] =	ssyncset.done $0x0  }
0x14a: {  	s2 =	simm.s32 $0x80;
	s0 =	rddreg [dreg:$0xb];
	[sflag:s12] =	ssyncadd.s32 $0xFFFFFFF0  }
0x14b: {  	[tilespmem:s2], [sflag:$0x3] =	stream.linear.gather [hbm4b:s0+s4], $0x10, $0x38;
	[tilespmem:$0xC900] =	vst v63  }
0x14c: {  	_ =	swait.ge [sflag:s12], $0x10  }
0x14d: {  	[sflag:s12] =	ssyncset.done $0x0  }
0x14e: {  	[sflag:s12] =	ssyncadd.s32 $0xFFFFFFF0  }
0x14f: {  	v3 =	vld [tilespmem:$0x80];
	_ =	sdelay $0x4  }
0x150: {  	v52 =	vshrl.u32 v3, $0x3  }
0x151: {  	v4 =	vmul.u32 $0xC0, v52  }
0x152: {  	v3 =	vand.u32 $0x7, v3  }
0x153: {  	v3 =	vor.u32 v3, v4  }
0x154: {  	v4 =	vperm.xlane v3, v0;
	_ =	sdelay $0x1  }
0x155: {  	v4 =	vadd.s32 v1, v4;
	_ =	sdelay $0x3  }
0x156: {  	s2 =	simm.s32 $0x100;
	s1 =	rddreg [dreg:$0x1]  }
0x157: {  	[tilespmem:s2], [sflag:$0x1] =	stream.indirect_vreg.gather [hbm4b:s1+s4], $0x80, v4, vm0, $0xb8;
	[tilespmem:$0xC900] =	vst v63  }
0x158: {  	s0 =	simm.s32 $0x900  }
0x159: {  	[tilespmem:s0], [sflag:$0x1] =	stream.indirect_vreg.gather [hbm4b:s8+s4], $0x80, v4, vm0, $0xb8;
	[tilespmem:$0xC900] =	vst v63  }
0x15a: {  	s2 =	simm.s32 $0x1100  }
0x15b: {  	[tilespmem:s2], [sflag:$0x1] =	stream.indirect_vreg.gather [hbm4b:s11+s4], $0x80, v4, vm0, $0xb8;
	[tilespmem:$0xC900] =	vst v63  }
0x15c: {  	s2 =	simm.s32 $0x1900  }
0x15d: {  	[tilespmem:s2], [sflag:$0x1] =	stream.indirect_vreg.gather [hbm4b:s10+s4], $0x80, v4, vm0, $0xb8;
	[tilespmem:$0xC900] =	vst v63  }
0x15e: {  	s2 =	simm.s32 $0x2100  }
0x15f: {  	[tilespmem:s2], [sflag:$0x1] =	stream.indirect_vreg.gather [hbm4b:s31+s4], $0x80, v4, vm0, $0xb8;
	[tilespmem:$0xC900] =	vst v63  }
0x160: {  	s2 =	simm.s32 $0x2900  }
0x161: {  	[tilespmem:s2], [sflag:$0x1] =	stream.indirect_vreg.gather [hbm4b:s9+s4], $0x80, v4, vm0, $0xb8;
	[tilespmem:$0xC900] =	vst v63  }
0x162: {  	s2 =	simm.s32 $0x3100  }
0x163: {  	[tilespmem:s2], [sflag:$0x1] =	stream.indirect_vreg.gather [hbm4b:s13+s4], $0x80, v4, vm0, $0xb8;
	[tilespmem:$0xC900] =	vst v63  }
0x164: {  	s2 =	simm.s32 $0x3900  }
0x165: {  	[tilespmem:s2], [sflag:$0x1] =	stream.indirect_vreg.gather [hbm4b:s14+s4], $0x80, v4, vm0, $0xb8;
	[tilespmem:$0xC900] =	vst v63  }
0x166: {  	s2 =	simm.s32 $0x4100  }
0x167: {  	[tilespmem:s2], [sflag:$0x1] =	stream.indirect_vreg.gather [hbm4b:s28+s4], $0x80, v4, vm0, $0xb8;
	[tilespmem:$0xC900] =	vst v63  }
0x168: {  	v3 =	vperm.xlane v3, v2;
	s2 =	simm.s32 $0x4900  }
0x169: {  	[tilespmem:s2], [sflag:$0x1] =	stream.indirect_vreg.gather [hbm4b:s29+s4], $0x80, v4, vm0, $0xb8;
	[tilespmem:$0xC900] =	vst v63  }
0x16a: {  	v3 =	vadd.s32 v1, v3;
	s2 =	simm.s32 $0x5100  }
0x16b: {  	[tilespmem:s2], [sflag:$0x1] =	stream.indirect_vreg.gather [hbm4b:s30+s4], $0x80, v4, vm0, $0xb8;
	[tilespmem:$0xC900] =	vst v63  }
0x16c: {  	s2 =	simm.s32 $0x5900  }
0x16d: {  	[tilespmem:s2], [sflag:$0x1] =	stream.indirect_vreg.gather [hbm4b:s5+s4], $0x80, v4, vm0, $0xb8;
	[tilespmem:$0xC900] =	vst v63  }
0x16e: {  	s2 =	simm.s32 $0x6100  }
0x16f: {  	[tilespmem:s2], [sflag:$0x1] =	stream.indirect_vreg.gather [hbm4b:s1+s4], $0x80, v3, vm0, $0xb8;
	[tilespmem:$0xC900] =	vst v63  }
0x170: {  	s2 =	simm.s32 $0x6900  }
0x171: {  	[tilespmem:s2], [sflag:$0x1] =	stream.indirect_vreg.gather [hbm4b:s8+s4], $0x80, v3, vm0, $0xb8;
	[tilespmem:$0xC900] =	vst v63  }
0x172: {  	s1 =	simm.s32 $0x7100  }
0x173: {  	[tilespmem:s1], [sflag:$0x1] =	stream.indirect_vreg.gather [hbm4b:s11+s4], $0x80, v3, vm0, $0xb8;
	[tilespmem:$0xC900] =	vst v63  }
0x174: {  	s2 =	simm.s32 $0x7900  }
0x175: {  	[tilespmem:s2], [sflag:$0x1] =	stream.indirect_vreg.gather [hbm4b:s10+s4], $0x80, v3, vm0, $0xb8;
	[tilespmem:$0xC900] =	vst v63  }
0x176: {  	s11 =	simm.s32 $0x8100  }
0x177: {  	[tilespmem:s11], [sflag:$0x1] =	stream.indirect_vreg.gather [hbm4b:s31+s4], $0x80, v3, vm0, $0xb8;
	[tilespmem:$0xC900] =	vst v63  }
0x178: {  	s1 =	simm.s32 $0x8900  }
0x179: {  	[tilespmem:s1], [sflag:$0x1] =	stream.indirect_vreg.gather [hbm4b:s9+s4], $0x80, v3, vm0, $0xb8;
	[tilespmem:$0xC900] =	vst v63  }
0x17a: {  	s2 =	simm.s32 $0x9100  }
0x17b: {  	[tilespmem:s2], [sflag:$0x1] =	stream.indirect_vreg.gather [hbm4b:s13+s4], $0x80, v3, vm0, $0xb8;
	[tilespmem:$0xC900] =	vst v63  }
0x17c: {  	s11 =	simm.s32 $0x9900  }
0x17d: {  	[tilespmem:s11], [sflag:$0x1] =	stream.indirect_vreg.gather [hbm4b:s14+s4], $0x80, v3, vm0, $0xb8;
	[tilespmem:$0xC900] =	vst v63  }
0x17e: {  	s1 =	simm.s32 $0xA100  }
0x17f: {  	[tilespmem:s1], [sflag:$0x1] =	stream.indirect_vreg.gather [hbm4b:s28+s4], $0x80, v3, vm0, $0xb8;
	[tilespmem:$0xC900] =	vst v63  }
0x180: {  	s2 =	simm.s32 $0xA900  }
0x181: {  	[tilespmem:s2], [sflag:$0x1] =	stream.indirect_vreg.gather [hbm4b:s29+s4], $0x80, v3, vm0, $0xb8;
	[tilespmem:$0xC900] =	vst v63  }
0x182: {  	s11 =	simm.s32 $0xB100  }
0x183: {  	[tilespmem:s11], [sflag:$0x1] =	stream.indirect_vreg.gather [hbm4b:s30+s4], $0x80, v3, vm0, $0xb8;
	[tilespmem:$0xC900] =	vst v63  }
0x184: {  	s0 =	rddreg [dreg:$0x2];
	s1 =	simm.s32 $0xB900  }
0x185: {  	[tilespmem:s1], [sflag:$0x1] =	stream.indirect_vreg.gather [hbm4b:s5+s4], $0x80, v3, vm0, $0xb8;
	[tilespmem:$0xC900] =	vst v63  }
0x186: {  	s2 =	simm.s32 $0x80;
	s11 =	simm.s32 $0x10;
	s1 =	simm.s32 $0xC100  }
0x187: {  	[tilespmem:s1], [sflag:$0x1] =	stream.indirect.gather [hbm4b:s0+s11], $0x80, s2, s11, $0xb8;
	[tilespmem:$0xC900] =	vst v63  }
0x188: {  	_ =	swait.ge [sflag:s25], $0xC000  }
0x189: {  	[sflag:s25] =	ssyncset.done $0x0  }
0x18a: {  	[sflag:s25] =	ssyncadd.s32 $0xFFFF4000  }
0x18b: {  	_ =	swait.ge [sflag:s25], $0x800  }
0x18c: {  	[sflag:s25] =	ssyncset.done $0x0  }
0x18d: {  	[sflag:s25] =	ssyncadd.s32 $0xFFFFF800  }
0x18e: {  	v3 =	vld [tilespmem:$0x0];
	_ =	sdelay $0x4  }
0x18f: {  	v53 =	vshrl.u32 v3, $0x3  }
0x190: {  	v4 =	vmul.u32 $0xC0, v53  }
0x191: {  	v3 =	vand.u32 $0x7, v3  }
0x192: {  	v3 =	vor.u32 v3, v4  }
0x193: {  	v4 =	vperm.xlane v3, v0;
	_ =	sdelay $0x1  }
0x194: {  	v4 =	vadd.s32 v1, v4;
	_ =	sdelay $0x3  }
0x195: {  	s2 =	simm.s32 $0x100  }
0x196: {  	[hbm4b:s7+s4] =	stream.indirect_vreg.scatter [tilespmem:s2], [sflag:$0x2], $0x80, v4, vm0, $0xb8;
	[tilespmem:$0xC900] =	vst v63  }
0x197: {  	s2 =	simm.s32 $0x900  }
0x198: {  	[hbm4b:s15+s4] =	stream.indirect_vreg.scatter [tilespmem:s2], [sflag:$0x2], $0x80, v4, vm0, $0xb8;
	[tilespmem:$0xC900] =	vst v63  }
0x199: {  	s2 =	simm.s32 $0x1100  }
0x19a: {  	[hbm4b:s16+s4] =	stream.indirect_vreg.scatter [tilespmem:s2], [sflag:$0x2], $0x80, v4, vm0, $0xb8;
	[tilespmem:$0xC900] =	vst v63  }
0x19b: {  	s2 =	simm.s32 $0x1900  }
0x19c: {  	[hbm4b:s17+s4] =	stream.indirect_vreg.scatter [tilespmem:s2], [sflag:$0x2], $0x80, v4, vm0, $0xb8;
	[tilespmem:$0xC900] =	vst v63  }
0x19d: {  	s2 =	simm.s32 $0x2100  }
0x19e: {  	[hbm4b:s18+s4] =	stream.indirect_vreg.scatter [tilespmem:s2], [sflag:$0x2], $0x80, v4, vm0, $0xb8;
	[tilespmem:$0xC900] =	vst v63  }
0x19f: {  	s2 =	simm.s32 $0x2900  }
0x1a0: {  	[hbm4b:s19+s4] =	stream.indirect_vreg.scatter [tilespmem:s2], [sflag:$0x2], $0x80, v4, vm0, $0xb8;
	[tilespmem:$0xC900] =	vst v63  }
0x1a1: {  	s2 =	simm.s32 $0x3100  }
0x1a2: {  	[hbm4b:s20+s4] =	stream.indirect_vreg.scatter [tilespmem:s2], [sflag:$0x2], $0x80, v4, vm0, $0xb8;
	[tilespmem:$0xC900] =	vst v63  }
0x1a3: {  	s2 =	simm.s32 $0x3900  }
0x1a4: {  	[hbm4b:s21+s4] =	stream.indirect_vreg.scatter [tilespmem:s2], [sflag:$0x2], $0x80, v4, vm0, $0xb8;
	[tilespmem:$0xC900] =	vst v63  }
0x1a5: {  	s2 =	simm.s32 $0x4100  }
0x1a6: {  	[hbm4b:s22+s4] =	stream.indirect_vreg.scatter [tilespmem:s2], [sflag:$0x2], $0x80, v4, vm0, $0xb8;
	[tilespmem:$0xC900] =	vst v63  }
0x1a7: {  	v3 =	vperm.xlane v3, v2;
	s2 =	simm.s32 $0x4900  }
0x1a8: {  	[hbm4b:s23+s4] =	stream.indirect_vreg.scatter [tilespmem:s2], [sflag:$0x2], $0x80, v4, vm0, $0xb8;
	[tilespmem:$0xC900] =	vst v63  }
0x1a9: {  	v3 =	vadd.s32 v1, v3;
	s2 =	simm.s32 $0x5100  }
0x1aa: {  	[hbm4b:s24+s4] =	stream.indirect_vreg.scatter [tilespmem:s2], [sflag:$0x2], $0x80, v4, vm0, $0xb8;
	[tilespmem:$0xC900] =	vst v63  }
0x1ab: {  	s2 =	simm.s32 $0x5900  }
0x1ac: {  	[hbm4b:s26+s4] =	stream.indirect_vreg.scatter [tilespmem:s2], [sflag:$0x2], $0x80, v4, vm0, $0xb8;
	[tilespmem:$0xC900] =	vst v63  }
0x1ad: {  	s2 =	simm.s32 $0x6100  }
0x1ae: {  	[hbm4b:s7+s4] =	stream.indirect_vreg.scatter [tilespmem:s2], [sflag:$0x2], $0x80, v3, vm0, $0xb8;
	[tilespmem:$0xC900] =	vst v63  }
0x1af: {  	s2 =	simm.s32 $0x6900  }
0x1b0: {  	[hbm4b:s15+s4] =	stream.indirect_vreg.scatter [tilespmem:s2], [sflag:$0x2], $0x80, v3, vm0, $0xb8;
	[tilespmem:$0xC900] =	vst v63  }
0x1b1: {  	s2 =	simm.s32 $0x7100  }
0x1b2: {  	[hbm4b:s16+s4] =	stream.indirect_vreg.scatter [tilespmem:s2], [sflag:$0x2], $0x80, v3, vm0, $0xb8;
	[tilespmem:$0xC900] =	vst v63  }
0x1b3: {  	s2 =	simm.s32 $0x7900  }
0x1b4: {  	[hbm4b:s17+s4] =	stream.indirect_vreg.scatter [tilespmem:s2], [sflag:$0x2], $0x80, v3, vm0, $0xb8;
	[tilespmem:$0xC900] =	vst v63  }
0x1b5: {  	s2 =	simm.s32 $0x8100  }
0x1b6: {  	[hbm4b:s18+s4] =	stream.indirect_vreg.scatter [tilespmem:s2], [sflag:$0x2], $0x80, v3, vm0, $0xb8;
	[tilespmem:$0xC900] =	vst v63  }
0x1b7: {  	s2 =	simm.s32 $0x8900  }
0x1b8: {  	[hbm4b:s19+s4] =	stream.indirect_vreg.scatter [tilespmem:s2], [sflag:$0x2], $0x80, v3, vm0, $0xb8;
	[tilespmem:$0xC900] =	vst v63  }
0x1b9: {  	s2 =	simm.s32 $0x9100  }
0x1ba: {  	[hbm4b:s20+s4] =	stream.indirect_vreg.scatter [tilespmem:s2], [sflag:$0x2], $0x80, v3, vm0, $0xb8;
	[tilespmem:$0xC900] =	vst v63  }
0x1bb: {  	s2 =	simm.s32 $0x9900  }
0x1bc: {  	[hbm4b:s21+s4] =	stream.indirect_vreg.scatter [tilespmem:s2], [sflag:$0x2], $0x80, v3, vm0, $0xb8;
	[tilespmem:$0xC900] =	vst v63  }
0x1bd: {  	s2 =	simm.s32 $0xA100  }
0x1be: {  	[hbm4b:s22+s4] =	stream.indirect_vreg.scatter [tilespmem:s2], [sflag:$0x2], $0x80, v3, vm0, $0xb8;
	[tilespmem:$0xC900] =	vst v63  }
0x1bf: {  	s2 =	simm.s32 $0xA900  }
0x1c0: {  	[hbm4b:s23+s4] =	stream.indirect_vreg.scatter [tilespmem:s2], [sflag:$0x2], $0x80, v3, vm0, $0xb8;
	[tilespmem:$0xC900] =	vst v63  }
0x1c1: {  	s2 =	simm.s32 $0xB100  }
0x1c2: {  	[hbm4b:s24+s4] =	stream.indirect_vreg.scatter [tilespmem:s2], [sflag:$0x2], $0x80, v3, vm0, $0xb8;
	[tilespmem:$0xC900] =	vst v63  }
0x1c3: {  	s2 =	simm.s32 $0xB900  }
0x1c4: {  	[hbm4b:s26+s4] =	stream.indirect_vreg.scatter [tilespmem:s2], [sflag:$0x2], $0x80, v3, vm0, $0xb8;
	[tilespmem:$0xC900] =	vst v63  }
0x1c5: {  	s11 =	simm.s32 $0x10;
	s1 =	simm.s32 $0xC100  }
0x1c6: {  	[hbm4b:s3+s11] =	stream.indirect.scatter [tilespmem:s1], [sflag:$0x2], $0x80, s4, s11, $0xb8;
	[tilespmem:$0xC900] =	vst v63  }
0x1c7: {  	_ =	swait.ge [sflag:s6], $0xC000  }
0x1c8: {  	[sflag:s6] =	ssyncset.done $0x0  }
0x1c9: {  	[sflag:s6] =	ssyncadd.s32 $0xFFFF4000  }
0x1ca: {  	_ =	swait.ge [sflag:s6], $0x800  }
0x1cb: {  	[sflag:s6] =	ssyncset.done $0x0  }
0x1cc: {  	s0 =	rddreg [dreg:$0xc];
	[sflag:s6] =	ssyncadd.s32 $0xFFFFF800  }
0x1cd: {  	[tilespmem:s4], [sflag:$0x3] =	stream.linear.gather [hbm4b:s0+s4], $0x10, $0x38;
	[tilespmem:$0xC900] =	vst v63  }
0x1ce: {  	_ =	swait.ge [sflag:s12], $0x10  }
0x1cf: {  	[sflag:s12] =	ssyncset.done $0x0  }
0x1d0: {  	s11 =	simm.s32 $0x80;
	s2 =	rddreg [dreg:$0xd];
	[sflag:s12] =	ssyncadd.s32 $0xFFFFFFF0  }
0x1d1: {  	[tilespmem:s11], [sflag:$0x3] =	stream.linear.gather [hbm4b:s2+s4], $0x10, $0x38;
	[tilespmem:$0xC900] =	vst v63  }
0x1d2: {  	_ =	swait.ge [sflag:s12], $0x10  }
0x1d3: {  	[sflag:s12] =	ssyncset.done $0x0  }
0x1d4: {  	[sflag:s12] =	ssyncadd.s32 $0xFFFFFFF0  }
0x1d5: {  	v3 =	vld [tilespmem:$0x80];
	_ =	sdelay $0x4  }
0x1d6: {  	v54 =	vshrl.u32 v3, $0x3  }
0x1d7: {  	v4 =	vmul.u32 $0xC0, v54  }
0x1d8: {  	v3 =	vand.u32 $0x7, v3  }
0x1d9: {  	v3 =	vor.u32 v3, v4  }
0x1da: {  	v4 =	vperm.xlane v3, v0;
	_ =	sdelay $0x1  }
0x1db: {  	v4 =	vadd.s32 v1, v4;
	_ =	sdelay $0x3  }
0x1dc: {  	s2 =	simm.s32 $0x100;
	s1 =	rddreg [dreg:$0x1]  }
0x1dd: {  	[tilespmem:s2], [sflag:$0x1] =	stream.indirect_vreg.gather [hbm4b:s1+s4], $0x80, v4, vm0, $0xb8;
	[tilespmem:$0xC900] =	vst v63  }
0x1de: {  	s11 =	simm.s32 $0x900  }
0x1df: {  	[tilespmem:s11], [sflag:$0x1] =	stream.indirect_vreg.gather [hbm4b:s8+s4], $0x80, v4, vm0, $0xb8;
	[tilespmem:$0xC900] =	vst v63  }
0x1e0: {  	s2 =	simm.s32 $0x1100;
	s11 =	rddreg [dreg:$0x1a]  }
0x1e1: {  	[tilespmem:s2], [sflag:$0x1] =	stream.indirect_vreg.gather [hbm4b:s11+s4], $0x80, v4, vm0, $0xb8;
	[tilespmem:$0xC900] =	vst v63  }
0x1e2: {  	s2 =	simm.s32 $0x1900  }
0x1e3: {  	[tilespmem:s2], [sflag:$0x1] =	stream.indirect_vreg.gather [hbm4b:s10+s4], $0x80, v4, vm0, $0xb8;
	[tilespmem:$0xC900] =	vst v63  }
0x1e4: {  	s2 =	simm.s32 $0x2100  }
0x1e5: {  	[tilespmem:s2], [sflag:$0x1] =	stream.indirect_vreg.gather [hbm4b:s31+s4], $0x80, v4, vm0, $0xb8;
	[tilespmem:$0xC900] =	vst v63  }
0x1e6: {  	s2 =	simm.s32 $0x2900  }
0x1e7: {  	[tilespmem:s2], [sflag:$0x1] =	stream.indirect_vreg.gather [hbm4b:s9+s4], $0x80, v4, vm0, $0xb8;
	[tilespmem:$0xC900] =	vst v63  }
0x1e8: {  	s2 =	simm.s32 $0x3100  }
0x1e9: {  	[tilespmem:s2], [sflag:$0x1] =	stream.indirect_vreg.gather [hbm4b:s13+s4], $0x80, v4, vm0, $0xb8;
	[tilespmem:$0xC900] =	vst v63  }
0x1ea: {  	s2 =	simm.s32 $0x3900  }
0x1eb: {  	[tilespmem:s2], [sflag:$0x1] =	stream.indirect_vreg.gather [hbm4b:s14+s4], $0x80, v4, vm0, $0xb8;
	[tilespmem:$0xC900] =	vst v63  }
0x1ec: {  	s2 =	simm.s32 $0x4100  }
0x1ed: {  	[tilespmem:s2], [sflag:$0x1] =	stream.indirect_vreg.gather [hbm4b:s28+s4], $0x80, v4, vm0, $0xb8;
	[tilespmem:$0xC900] =	vst v63  }
0x1ee: {  	v3 =	vperm.xlane v3, v2;
	s2 =	simm.s32 $0x4900  }
0x1ef: {  	[tilespmem:s2], [sflag:$0x1] =	stream.indirect_vreg.gather [hbm4b:s29+s4], $0x80, v4, vm0, $0xb8;
	[tilespmem:$0xC900] =	vst v63  }
0x1f0: {  	v3 =	vadd.s32 v1, v3;
	s2 =	simm.s32 $0x5100  }
0x1f1: {  	[tilespmem:s2], [sflag:$0x1] =	stream.indirect_vreg.gather [hbm4b:s30+s4], $0x80, v4, vm0, $0xb8;
	[tilespmem:$0xC900] =	vst v63  }
0x1f2: {  	s2 =	simm.s32 $0x5900  }
0x1f3: {  	[tilespmem:s2], [sflag:$0x1] =	stream.indirect_vreg.gather [hbm4b:s5+s4], $0x80, v4, vm0, $0xb8;
	[tilespmem:$0xC900] =	vst v63  }
0x1f4: {  	s2 =	simm.s32 $0x6100  }
0x1f5: {  	[tilespmem:s2], [sflag:$0x1] =	stream.indirect_vreg.gather [hbm4b:s1+s4], $0x80, v3, vm0, $0xb8;
	[tilespmem:$0xC900] =	vst v63  }
0x1f6: {  	s2 =	simm.s32 $0x6900  }
0x1f7: {  	[tilespmem:s2], [sflag:$0x1] =	stream.indirect_vreg.gather [hbm4b:s8+s4], $0x80, v3, vm0, $0xb8;
	[tilespmem:$0xC900] =	vst v63  }
0x1f8: {  	s1 =	simm.s32 $0x7100  }
0x1f9: {  	[tilespmem:s1], [sflag:$0x1] =	stream.indirect_vreg.gather [hbm4b:s11+s4], $0x80, v3, vm0, $0xb8;
	[tilespmem:$0xC900] =	vst v63  }
0x1fa: {  	s2 =	simm.s32 $0x7900  }
0x1fb: {  	[tilespmem:s2], [sflag:$0x1] =	stream.indirect_vreg.gather [hbm4b:s10+s4], $0x80, v3, vm0, $0xb8;
	[tilespmem:$0xC900] =	vst v63  }
0x1fc: {  	s1 =	simm.s32 $0x8100  }
0x1fd: {  	[tilespmem:s1], [sflag:$0x1] =	stream.indirect_vreg.gather [hbm4b:s31+s4], $0x80, v3, vm0, $0xb8;
	[tilespmem:$0xC900] =	vst v63  }
0x1fe: {  	s2 =	simm.s32 $0x8900  }
0x1ff: {  	[tilespmem:s2], [sflag:$0x1] =	stream.indirect_vreg.gather [hbm4b:s9+s4], $0x80, v3, vm0, $0xb8;
	[tilespmem:$0xC900] =	vst v63  }
0x200: {  	s10 =	simm.s32 $0x9100  }
0x201: {  	[tilespmem:s10], [sflag:$0x1] =	stream.indirect_vreg.gather [hbm4b:s13+s4], $0x80, v3, vm0, $0xb8;
	[tilespmem:$0xC900] =	vst v63  }
0x202: {  	s1 =	simm.s32 $0x9900  }
0x203: {  	[tilespmem:s1], [sflag:$0x1] =	stream.indirect_vreg.gather [hbm4b:s14+s4], $0x80, v3, vm0, $0xb8;
	[tilespmem:$0xC900] =	vst v63  }
0x204: {  	s2 =	simm.s32 $0xA100  }
0x205: {  	[tilespmem:s2], [sflag:$0x1] =	stream.indirect_vreg.gather [hbm4b:s28+s4], $0x80, v3, vm0, $0xb8;
	[tilespmem:$0xC900] =	vst v63  }
0x206: {  	s10 =	simm.s32 $0xA900  }
0x207: {  	[tilespmem:s10], [sflag:$0x1] =	stream.indirect_vreg.gather [hbm4b:s29+s4], $0x80, v3, vm0, $0xb8;
	[tilespmem:$0xC900] =	vst v63  }
0x208: {  	s1 =	simm.s32 $0xB100  }
0x209: {  	[tilespmem:s1], [sflag:$0x1] =	stream.indirect_vreg.gather [hbm4b:s30+s4], $0x80, v3, vm0, $0xb8;
	[tilespmem:$0xC900] =	vst v63  }
0x20a: {  	s0 =	rddreg [dreg:$0x2];
	s2 =	simm.s32 $0xB900  }
0x20b: {  	[tilespmem:s2], [sflag:$0x1] =	stream.indirect_vreg.gather [hbm4b:s5+s4], $0x80, v3, vm0, $0xb8;
	[tilespmem:$0xC900] =	vst v63  }
0x20c: {  	s10 =	simm.s32 $0x80;
	s1 =	simm.s32 $0x10;
	s2 =	simm.s32 $0xC100  }
0x20d: {  	[tilespmem:s2], [sflag:$0x1] =	stream.indirect.gather [hbm4b:s0+s1], $0x80, s10, s1, $0xb8;
	[tilespmem:$0xC900] =	vst v63  }
0x20e: {  	_ =	swait.ge [sflag:s25], $0xC000  }
0x20f: {  	[sflag:s25] =	ssyncset.done $0x0  }
0x210: {  	[sflag:s25] =	ssyncadd.s32 $0xFFFF4000  }
0x211: {  	_ =	swait.ge [sflag:s25], $0x800  }
0x212: {  	[sflag:s25] =	ssyncset.done $0x0  }
0x213: {  	[sflag:s25] =	ssyncadd.s32 $0xFFFFF800  }
0x214: {  	v3 =	vld [tilespmem:$0x0];
	_ =	sdelay $0x4  }
0x215: {  	v55 =	vshrl.u32 v3, $0x3  }
0x216: {  	v4 =	vmul.u32 $0xC0, v55  }
0x217: {  	v3 =	vand.u32 $0x7, v3  }
0x218: {  	v3 =	vor.u32 v3, v4  }
0x219: {  	v4 =	vperm.xlane v3, v0;
	_ =	sdelay $0x1  }
0x21a: {  	v4 =	vadd.s32 v1, v4;
	_ =	sdelay $0x3  }
0x21b: {  	s10 =	simm.s32 $0x100  }
0x21c: {  	[hbm4b:s7+s4] =	stream.indirect_vreg.scatter [tilespmem:s10], [sflag:$0x2], $0x80, v4, vm0, $0xb8;
	[tilespmem:$0xC900] =	vst v63  }
0x21d: {  	s1 =	simm.s32 $0x900  }
0x21e: {  	[hbm4b:s15+s4] =	stream.indirect_vreg.scatter [tilespmem:s1], [sflag:$0x2], $0x80, v4, vm0, $0xb8;
	[tilespmem:$0xC900] =	vst v63  }
0x21f: {  	s2 =	simm.s32 $0x1100  }
0x220: {  	[hbm4b:s16+s4] =	stream.indirect_vreg.scatter [tilespmem:s2], [sflag:$0x2], $0x80, v4, vm0, $0xb8;
	[tilespmem:$0xC900] =	vst v63  }
0x221: {  	s10 =	simm.s32 $0x1900  }
0x222: {  	[hbm4b:s17+s4] =	stream.indirect_vreg.scatter [tilespmem:s10], [sflag:$0x2], $0x80, v4, vm0, $0xb8;
	[tilespmem:$0xC900] =	vst v63  }
0x223: {  	s1 =	simm.s32 $0x2100  }
0x224: {  	[hbm4b:s18+s4] =	stream.indirect_vreg.scatter [tilespmem:s1], [sflag:$0x2], $0x80, v4, vm0, $0xb8;
	[tilespmem:$0xC900] =	vst v63  }
0x225: {  	s2 =	simm.s32 $0x2900  }
0x226: {  	[hbm4b:s19+s4] =	stream.indirect_vreg.scatter [tilespmem:s2], [sflag:$0x2], $0x80, v4, vm0, $0xb8;
	[tilespmem:$0xC900] =	vst v63  }
0x227: {  	s10 =	simm.s32 $0x3100  }
0x228: {  	[hbm4b:s20+s4] =	stream.indirect_vreg.scatter [tilespmem:s10], [sflag:$0x2], $0x80, v4, vm0, $0xb8;
	[tilespmem:$0xC900] =	vst v63  }
0x229: {  	s1 =	simm.s32 $0x3900  }
0x22a: {  	[hbm4b:s21+s4] =	stream.indirect_vreg.scatter [tilespmem:s1], [sflag:$0x2], $0x80, v4, vm0, $0xb8;
	[tilespmem:$0xC900] =	vst v63  }
0x22b: {  	s2 =	simm.s32 $0x4100  }
0x22c: {  	[hbm4b:s22+s4] =	stream.indirect_vreg.scatter [tilespmem:s2], [sflag:$0x2], $0x80, v4, vm0, $0xb8;
	[tilespmem:$0xC900] =	vst v63  }
0x22d: {  	v3 =	vperm.xlane v3, v2;
	s10 =	simm.s32 $0x4900  }
0x22e: {  	[hbm4b:s23+s4] =	stream.indirect_vreg.scatter [tilespmem:s10], [sflag:$0x2], $0x80, v4, vm0, $0xb8;
	[tilespmem:$0xC900] =	vst v63  }
0x22f: {  	v3 =	vadd.s32 v1, v3;
	s1 =	simm.s32 $0x5100  }
0x230: {  	[hbm4b:s24+s4] =	stream.indirect_vreg.scatter [tilespmem:s1], [sflag:$0x2], $0x80, v4, vm0, $0xb8;
	[tilespmem:$0xC900] =	vst v63  }
0x231: {  	s2 =	simm.s32 $0x5900  }
0x232: {  	[hbm4b:s26+s4] =	stream.indirect_vreg.scatter [tilespmem:s2], [sflag:$0x2], $0x80, v4, vm0, $0xb8;
	[tilespmem:$0xC900] =	vst v63  }
0x233: {  	s10 =	simm.s32 $0x6100  }
0x234: {  	[hbm4b:s7+s4] =	stream.indirect_vreg.scatter [tilespmem:s10], [sflag:$0x2], $0x80, v3, vm0, $0xb8;
	[tilespmem:$0xC900] =	vst v63  }
0x235: {  	s1 =	simm.s32 $0x6900  }
0x236: {  	[hbm4b:s15+s4] =	stream.indirect_vreg.scatter [tilespmem:s1], [sflag:$0x2], $0x80, v3, vm0, $0xb8;
	[tilespmem:$0xC900] =	vst v63  }
0x237: {  	s2 =	simm.s32 $0x7100  }
0x238: {  	[hbm4b:s16+s4] =	stream.indirect_vreg.scatter [tilespmem:s2], [sflag:$0x2], $0x80, v3, vm0, $0xb8;
	[tilespmem:$0xC900] =	vst v63  }
0x239: {  	s10 =	simm.s32 $0x7900  }
0x23a: {  	[hbm4b:s17+s4] =	stream.indirect_vreg.scatter [tilespmem:s10], [sflag:$0x2], $0x80, v3, vm0, $0xb8;
	[tilespmem:$0xC900] =	vst v63  }
0x23b: {  	s1 =	simm.s32 $0x8100  }
0x23c: {  	[hbm4b:s18+s4] =	stream.indirect_vreg.scatter [tilespmem:s1], [sflag:$0x2], $0x80, v3, vm0, $0xb8;
	[tilespmem:$0xC900] =	vst v63  }
0x23d: {  	s10 =	simm.s32 $0x8900  }
0x23e: {  	[hbm4b:s19+s4] =	stream.indirect_vreg.scatter [tilespmem:s10], [sflag:$0x2], $0x80, v3, vm0, $0xb8;
	[tilespmem:$0xC900] =	vst v63  }
0x23f: {  	s1 =	simm.s32 $0x9100  }
0x240: {  	[hbm4b:s20+s4] =	stream.indirect_vreg.scatter [tilespmem:s1], [sflag:$0x2], $0x80, v3, vm0, $0xb8;
	[tilespmem:$0xC900] =	vst v63  }
0x241: {  	s10 =	simm.s32 $0x9900  }
0x242: {  	[hbm4b:s21+s4] =	stream.indirect_vreg.scatter [tilespmem:s10], [sflag:$0x2], $0x80, v3, vm0, $0xb8;
	[tilespmem:$0xC900] =	vst v63  }
0x243: {  	s1 =	simm.s32 $0xA100  }
0x244: {  	[hbm4b:s22+s4] =	stream.indirect_vreg.scatter [tilespmem:s1], [sflag:$0x2], $0x80, v3, vm0, $0xb8;
	[tilespmem:$0xC900] =	vst v63  }
0x245: {  	s10 =	simm.s32 $0xA900  }
0x246: {  	[hbm4b:s23+s4] =	stream.indirect_vreg.scatter [tilespmem:s10], [sflag:$0x2], $0x80, v3, vm0, $0xb8;
	[tilespmem:$0xC900] =	vst v63  }
0x247: {  	s1 =	simm.s32 $0xB100  }
0x248: {  	[hbm4b:s24+s4] =	stream.indirect_vreg.scatter [tilespmem:s1], [sflag:$0x2], $0x80, v3, vm0, $0xb8;
	[tilespmem:$0xC900] =	vst v63  }
0x249: {  	s10 =	simm.s32 $0xB900  }
0x24a: {  	[hbm4b:s26+s4] =	stream.indirect_vreg.scatter [tilespmem:s10], [sflag:$0x2], $0x80, v3, vm0, $0xb8;
	[tilespmem:$0xC900] =	vst v63  }
0x24b: {  	s1 =	simm.s32 $0xC100;
	s10 =	simm.s32 $0x10  }
0x24c: {  	[hbm4b:s3+s10] =	stream.indirect.scatter [tilespmem:s1], [sflag:$0x2], $0x80, s4, s10, $0xb8;
	[tilespmem:$0xC900] =	vst v63  }
0x24d: {  	_ =	swait.ge [sflag:s6], $0xC000  }
0x24e: {  	[sflag:s6] =	ssyncset.done $0x0  }
0x24f: {  	[sflag:s6] =	ssyncadd.s32 $0xFFFF4000  }
0x250: {  	_ =	swait.ge [sflag:s6], $0x800  }
0x251: {  	[sflag:s6] =	ssyncset.done $0x0  }
0x252: {  	s10 =	rddreg [dreg:$0xe];
	[sflag:s6] =	ssyncadd.s32 $0xFFFFF800  }
0x253: {  	[tilespmem:s4], [sflag:$0x3] =	stream.linear.gather [hbm4b:s10+s4], $0x10, $0x38;
	[tilespmem:$0xC900] =	vst v63  }
0x254: {  	_ =	swait.ge [sflag:s12], $0x10  }
0x255: {  	[sflag:s12] =	ssyncset.done $0x0  }
0x256: {  	s3 =	simm.s32 $0x80;
	s0 =	rddreg [dreg:$0xf];
	[sflag:s12] =	ssyncadd.s32 $0xFFFFFFF0  }
0x257: {  	[tilespmem:s3], [sflag:$0x3] =	stream.linear.gather [hbm4b:s0+s4], $0x10, $0x38;
	[tilespmem:$0xC900] =	vst v63  }
0x258: {  	_ =	swait.ge [sflag:s12], $0x10  }
0x259: {  	[sflag:s12] =	ssyncset.done $0x0  }
0x25a: {  	[sflag:s12] =	ssyncadd.s32 $0xFFFFFFF0  }
0x25b: {  	v3 =	vld [tilespmem:$0x80];
	_ =	sdelay $0x4  }
0x25c: {  	v56 =	vshrl.u32 v3, $0x3  }
0x25d: {  	v4 =	vmul.u32 $0xC0, v56  }
0x25e: {  	v3 =	vand.u32 $0x7, v3  }
0x25f: {  	v3 =	vor.u32 v3, v4  }
0x260: {  	v4 =	vperm.xlane v3, v0;
	_ =	sdelay $0x1  }
0x261: {  	v4 =	vadd.s32 v1, v4;
	_ =	sdelay $0x3  }
0x262: {  	s10 =	simm.s32 $0x100;
	s0 =	rddreg [dreg:$0x1]  }
0x263: {  	[tilespmem:s10], [sflag:$0x1] =	stream.indirect_vreg.gather [hbm4b:s0+s4], $0x80, v4, vm0, $0xb8;
	[tilespmem:$0xC900] =	vst v63  }
0x264: {  	s3 =	simm.s32 $0x900  }
0x265: {  	[tilespmem:s3], [sflag:$0x1] =	stream.indirect_vreg.gather [hbm4b:s8+s4], $0x80, v4, vm0, $0xb8;
	[tilespmem:$0xC900] =	vst v63  }
0x266: {  	s10 =	simm.s32 $0x1100  }
0x267: {  	[tilespmem:s10], [sflag:$0x1] =	stream.indirect_vreg.gather [hbm4b:s11+s4], $0x80, v4, vm0, $0xb8;
	[tilespmem:$0xC900] =	vst v63  }
0x268: {  	s3 =	simm.s32 $0x1900;
	s10 =	rddreg [dreg:$0x1b]  }
0x269: {  	[tilespmem:s3], [sflag:$0x1] =	stream.indirect_vreg.gather [hbm4b:s10+s4], $0x80, v4, vm0, $0xb8;
	[tilespmem:$0xC900] =	vst v63  }
0x26a: {  	s3 =	simm.s32 $0x2100  }
0x26b: {  	[tilespmem:s3], [sflag:$0x1] =	stream.indirect_vreg.gather [hbm4b:s31+s4], $0x80, v4, vm0, $0xb8;
	[tilespmem:$0xC900] =	vst v63  }
0x26c: {  	s3 =	simm.s32 $0x2900  }
0x26d: {  	[tilespmem:s3], [sflag:$0x1] =	stream.indirect_vreg.gather [hbm4b:s9+s4], $0x80, v4, vm0, $0xb8;
	[tilespmem:$0xC900] =	vst v63  }
0x26e: {  	s3 =	simm.s32 $0x3100  }
0x26f: {  	[tilespmem:s3], [sflag:$0x1] =	stream.indirect_vreg.gather [hbm4b:s13+s4], $0x80, v4, vm0, $0xb8;
	[tilespmem:$0xC900] =	vst v63  }
0x270: {  	s3 =	simm.s32 $0x3900  }
0x271: {  	[tilespmem:s3], [sflag:$0x1] =	stream.indirect_vreg.gather [hbm4b:s14+s4], $0x80, v4, vm0, $0xb8;
	[tilespmem:$0xC900] =	vst v63  }
0x272: {  	s3 =	simm.s32 $0x4100  }
0x273: {  	[tilespmem:s3], [sflag:$0x1] =	stream.indirect_vreg.gather [hbm4b:s28+s4], $0x80, v4, vm0, $0xb8;
	[tilespmem:$0xC900] =	vst v63  }
0x274: {  	v3 =	vperm.xlane v3, v2;
	s3 =	simm.s32 $0x4900  }
0x275: {  	[tilespmem:s3], [sflag:$0x1] =	stream.indirect_vreg.gather [hbm4b:s29+s4], $0x80, v4, vm0, $0xb8;
	[tilespmem:$0xC900] =	vst v63  }
0x276: {  	v3 =	vadd.s32 v1, v3;
	s3 =	simm.s32 $0x5100  }
0x277: {  	[tilespmem:s3], [sflag:$0x1] =	stream.indirect_vreg.gather [hbm4b:s30+s4], $0x80, v4, vm0, $0xb8;
	[tilespmem:$0xC900] =	vst v63  }
0x278: {  	s3 =	simm.s32 $0x5900  }
0x279: {  	[tilespmem:s3], [sflag:$0x1] =	stream.indirect_vreg.gather [hbm4b:s5+s4], $0x80, v4, vm0, $0xb8;
	[tilespmem:$0xC900] =	vst v63  }
0x27a: {  	s1 =	simm.s32 $0x6100  }
0x27b: {  	[tilespmem:s1], [sflag:$0x1] =	stream.indirect_vreg.gather [hbm4b:s0+s4], $0x80, v3, vm0, $0xb8;
	[tilespmem:$0xC900] =	vst v63  }
0x27c: {  	s3 =	simm.s32 $0x6900  }
0x27d: {  	[tilespmem:s3], [sflag:$0x1] =	stream.indirect_vreg.gather [hbm4b:s8+s4], $0x80, v3, vm0, $0xb8;
	[tilespmem:$0xC900] =	vst v63  }
0x27e: {  	s2 =	simm.s32 $0x7100  }
0x27f: {  	[tilespmem:s2], [sflag:$0x1] =	stream.indirect_vreg.gather [hbm4b:s11+s4], $0x80, v3, vm0, $0xb8;
	[tilespmem:$0xC900] =	vst v63  }
0x280: {  	s11 =	simm.s32 $0x7900  }
0x281: {  	[tilespmem:s11], [sflag:$0x1] =	stream.indirect_vreg.gather [hbm4b:s10+s4], $0x80, v3, vm0, $0xb8;
	[tilespmem:$0xC900] =	vst v63  }
0x282: {  	s1 =	simm.s32 $0x8100  }
0x283: {  	[tilespmem:s1], [sflag:$0x1] =	stream.indirect_vreg.gather [hbm4b:s31+s4], $0x80, v3, vm0, $0xb8;
	[tilespmem:$0xC900] =	vst v63  }
0x284: {  	s8 =	simm.s32 $0x8900  }
0x285: {  	[tilespmem:s8], [sflag:$0x1] =	stream.indirect_vreg.gather [hbm4b:s9+s4], $0x80, v3, vm0, $0xb8;
	[tilespmem:$0xC900] =	vst v63  }
0x286: {  	s2 =	simm.s32 $0x9100  }
0x287: {  	[tilespmem:s2], [sflag:$0x1] =	stream.indirect_vreg.gather [hbm4b:s13+s4], $0x80, v3, vm0, $0xb8;
	[tilespmem:$0xC900] =	vst v63  }
0x288: {  	s3 =	simm.s32 $0x9900  }
0x289: {  	[tilespmem:s3], [sflag:$0x1] =	stream.indirect_vreg.gather [hbm4b:s14+s4], $0x80, v3, vm0, $0xb8;
	[tilespmem:$0xC900] =	vst v63  }
0x28a: {  	s1 =	simm.s32 $0xA100  }
0x28b: {  	[tilespmem:s1], [sflag:$0x1] =	stream.indirect_vreg.gather [hbm4b:s28+s4], $0x80, v3, vm0, $0xb8;
	[tilespmem:$0xC900] =	vst v63  }
0x28c: {  	s2 =	simm.s32 $0xA900  }
0x28d: {  	[tilespmem:s2], [sflag:$0x1] =	stream.indirect_vreg.gather [hbm4b:s29+s4], $0x80, v3, vm0, $0xb8;
	[tilespmem:$0xC900] =	vst v63  }
0x28e: {  	s3 =	simm.s32 $0xB100  }
0x28f: {  	[tilespmem:s3], [sflag:$0x1] =	stream.indirect_vreg.gather [hbm4b:s30+s4], $0x80, v3, vm0, $0xb8;
	[tilespmem:$0xC900] =	vst v63  }
0x290: {  	s0 =	rddreg [dreg:$0x2];
	s1 =	simm.s32 $0xB900  }
0x291: {  	[tilespmem:s1], [sflag:$0x1] =	stream.indirect_vreg.gather [hbm4b:s5+s4], $0x80, v3, vm0, $0xb8;
	[tilespmem:$0xC900] =	vst v63  }
0x292: {  	s2 =	simm.s32 $0x80;
	s3 =	simm.s32 $0x10;
	s1 =	simm.s32 $0xC100  }
0x293: {  	[tilespmem:s1], [sflag:$0x1] =	stream.indirect.gather [hbm4b:s0+s3], $0x80, s2, s3, $0xb8;
	[tilespmem:$0xC900] =	vst v63  }
0x294: {  	_ =	swait.ge [sflag:s25], $0xC000  }
0x295: {  	[sflag:s25] =	ssyncset.done $0x0  }
0x296: {  	[sflag:s25] =	ssyncadd.s32 $0xFFFF4000  }
0x297: {  	_ =	swait.ge [sflag:s25], $0x800  }
0x298: {  	[sflag:s25] =	ssyncset.done $0x0  }
0x299: {  	[sflag:s25] =	ssyncadd.s32 $0xFFFFF800  }
0x29a: {  	v3 =	vld [tilespmem:$0x0];
	_ =	sdelay $0x4  }
0x29b: {  	v57 =	vshrl.u32 v3, $0x3  }
0x29c: {  	v4 =	vmul.u32 $0xC0, v57  }
0x29d: {  	v3 =	vand.u32 $0x7, v3  }
0x29e: {  	v3 =	vor.u32 v3, v4  }
0x29f: {  	v4 =	vperm.xlane v3, v0;
	_ =	sdelay $0x1  }
0x2a0: {  	v4 =	vadd.s32 v1, v4;
	_ =	sdelay $0x3  }
0x2a1: {  	s2 =	simm.s32 $0x100  }
0x2a2: {  	[hbm4b:s7+s4] =	stream.indirect_vreg.scatter [tilespmem:s2], [sflag:$0x2], $0x80, v4, vm0, $0xb8;
	[tilespmem:$0xC900] =	vst v63  }
0x2a3: {  	s2 =	simm.s32 $0x900  }
0x2a4: {  	[hbm4b:s15+s4] =	stream.indirect_vreg.scatter [tilespmem:s2], [sflag:$0x2], $0x80, v4, vm0, $0xb8;
	[tilespmem:$0xC900] =	vst v63  }
0x2a5: {  	s2 =	simm.s32 $0x1100  }
0x2a6: {  	[hbm4b:s16+s4] =	stream.indirect_vreg.scatter [tilespmem:s2], [sflag:$0x2], $0x80, v4, vm0, $0xb8;
	[tilespmem:$0xC900] =	vst v63  }
0x2a7: {  	s2 =	simm.s32 $0x1900  }
0x2a8: {  	[hbm4b:s17+s4] =	stream.indirect_vreg.scatter [tilespmem:s2], [sflag:$0x2], $0x80, v4, vm0, $0xb8;
	[tilespmem:$0xC900] =	vst v63  }
0x2a9: {  	s2 =	simm.s32 $0x2100  }
0x2aa: {  	[hbm4b:s18+s4] =	stream.indirect_vreg.scatter [tilespmem:s2], [sflag:$0x2], $0x80, v4, vm0, $0xb8;
	[tilespmem:$0xC900] =	vst v63  }
0x2ab: {  	s2 =	simm.s32 $0x2900  }
0x2ac: {  	[hbm4b:s19+s4] =	stream.indirect_vreg.scatter [tilespmem:s2], [sflag:$0x2], $0x80, v4, vm0, $0xb8;
	[tilespmem:$0xC900] =	vst v63  }
0x2ad: {  	s2 =	simm.s32 $0x3100  }
0x2ae: {  	[hbm4b:s20+s4] =	stream.indirect_vreg.scatter [tilespmem:s2], [sflag:$0x2], $0x80, v4, vm0, $0xb8;
	[tilespmem:$0xC900] =	vst v63  }
0x2af: {  	s2 =	simm.s32 $0x3900  }
0x2b0: {  	[hbm4b:s21+s4] =	stream.indirect_vreg.scatter [tilespmem:s2], [sflag:$0x2], $0x80, v4, vm0, $0xb8;
	[tilespmem:$0xC900] =	vst v63  }
0x2b1: {  	s2 =	simm.s32 $0x4100  }
0x2b2: {  	[hbm4b:s22+s4] =	stream.indirect_vreg.scatter [tilespmem:s2], [sflag:$0x2], $0x80, v4, vm0, $0xb8;
	[tilespmem:$0xC900] =	vst v63  }
0x2b3: {  	v3 =	vperm.xlane v3, v2;
	s2 =	simm.s32 $0x4900  }
0x2b4: {  	[hbm4b:s23+s4] =	stream.indirect_vreg.scatter [tilespmem:s2], [sflag:$0x2], $0x80, v4, vm0, $0xb8;
	[tilespmem:$0xC900] =	vst v63  }
0x2b5: {  	v3 =	vadd.s32 v1, v3;
	s2 =	simm.s32 $0x5100  }
0x2b6: {  	[hbm4b:s24+s4] =	stream.indirect_vreg.scatter [tilespmem:s2], [sflag:$0x2], $0x80, v4, vm0, $0xb8;
	[tilespmem:$0xC900] =	vst v63  }
0x2b7: {  	s2 =	simm.s32 $0x5900  }
0x2b8: {  	[hbm4b:s26+s4] =	stream.indirect_vreg.scatter [tilespmem:s2], [sflag:$0x2], $0x80, v4, vm0, $0xb8;
	[tilespmem:$0xC900] =	vst v63  }
0x2b9: {  	s2 =	simm.s32 $0x6100  }
0x2ba: {  	[hbm4b:s7+s4] =	stream.indirect_vreg.scatter [tilespmem:s2], [sflag:$0x2], $0x80, v3, vm0, $0xb8;
	[tilespmem:$0xC900] =	vst v63  }
0x2bb: {  	s2 =	simm.s32 $0x6900  }
0x2bc: {  	[hbm4b:s15+s4] =	stream.indirect_vreg.scatter [tilespmem:s2], [sflag:$0x2], $0x80, v3, vm0, $0xb8;
	[tilespmem:$0xC900] =	vst v63  }
0x2bd: {  	s2 =	simm.s32 $0x7100  }
0x2be: {  	[hbm4b:s16+s4] =	stream.indirect_vreg.scatter [tilespmem:s2], [sflag:$0x2], $0x80, v3, vm0, $0xb8;
	[tilespmem:$0xC900] =	vst v63  }
0x2bf: {  	s2 =	simm.s32 $0x7900  }
0x2c0: {  	[hbm4b:s17+s4] =	stream.indirect_vreg.scatter [tilespmem:s2], [sflag:$0x2], $0x80, v3, vm0, $0xb8;
	[tilespmem:$0xC900] =	vst v63  }
0x2c1: {  	s11 =	smov.u32 s31;
	s31 =	simm.s32 $0x8100  }
0x2c2: {  	[hbm4b:s18+s4] =	stream.indirect_vreg.scatter [tilespmem:s31], [sflag:$0x2], $0x80, v3, vm0, $0xb8;
	[tilespmem:$0xC900] =	vst v63  }
0x2c3: {  	_ = 	snop  }
0x2c4: {  	[hbm4b:s19+s4] =	stream.indirect_vreg.scatter [tilespmem:s8], [sflag:$0x2], $0x80, v3, vm0, $0xb8;
	[tilespmem:$0xC900] =	vst v63  }
0x2c5: {  	s31 =	simm.s32 $0x9100  }
0x2c6: {  	[hbm4b:s20+s4] =	stream.indirect_vreg.scatter [tilespmem:s31], [sflag:$0x2], $0x80, v3, vm0, $0xb8;
	[tilespmem:$0xC900] =	vst v63  }
0x2c7: {  	s2 =	simm.s32 $0x9900  }
0x2c8: {  	[hbm4b:s21+s4] =	stream.indirect_vreg.scatter [tilespmem:s2], [sflag:$0x2], $0x80, v3, vm0, $0xb8;
	[tilespmem:$0xC900] =	vst v63  }
0x2c9: {  	s8 =	simm.s32 $0xA100  }
0x2ca: {  	[hbm4b:s22+s4] =	stream.indirect_vreg.scatter [tilespmem:s8], [sflag:$0x2], $0x80, v3, vm0, $0xb8;
	[tilespmem:$0xC900] =	vst v63  }
0x2cb: {  	s31 =	simm.s32 $0xA900  }
0x2cc: {  	[hbm4b:s23+s4] =	stream.indirect_vreg.scatter [tilespmem:s31], [sflag:$0x2], $0x80, v3, vm0, $0xb8;
	[tilespmem:$0xC900] =	vst v63  }
0x2cd: {  	s2 =	simm.s32 $0xB100  }
0x2ce: {  	[hbm4b:s24+s4] =	stream.indirect_vreg.scatter [tilespmem:s2], [sflag:$0x2], $0x80, v3, vm0, $0xb8;
	[tilespmem:$0xC900] =	vst v63  }
0x2cf: {  	s8 =	simm.s32 $0xB900  }
0x2d0: {  	[hbm4b:s26+s4] =	stream.indirect_vreg.scatter [tilespmem:s8], [sflag:$0x2], $0x80, v3, vm0, $0xb8;
	[tilespmem:$0xC900] =	vst v63  }
0x2d1: {  	s1 =	simm.s32 $0xC100;
	s2 =	rddreg [dreg:$0x16]  }
0x2d2: {  	[hbm4b:s2+s3] =	stream.indirect.scatter [tilespmem:s1], [sflag:$0x2], $0x80, s4, s3, $0xb8;
	[tilespmem:$0xC900] =	vst v63  }
0x2d3: {  	_ =	swait.ge [sflag:s6], $0xC000  }
0x2d4: {  	[sflag:s6] =	ssyncset.done $0x0  }
0x2d5: {  	[sflag:s6] =	ssyncadd.s32 $0xFFFF4000  }
0x2d6: {  	_ =	swait.ge [sflag:s6], $0x800  }
0x2d7: {  	[sflag:s6] =	ssyncset.done $0x0  }
0x2d8: {  	s31 =	rddreg [dreg:$0x10];
	[sflag:s6] =	ssyncadd.s32 $0xFFFFF800  }
0x2d9: {  	[tilespmem:s4], [sflag:$0x3] =	stream.linear.gather [hbm4b:s31+s4], $0x10, $0x38;
	[tilespmem:$0xC900] =	vst v63  }
0x2da: {  	_ =	swait.ge [sflag:s12], $0x10  }
0x2db: {  	[sflag:s12] =	ssyncset.done $0x0  }
0x2dc: {  	s3 =	simm.s32 $0x80;
	s0 =	rddreg [dreg:$0x11];
	[sflag:s12] =	ssyncadd.s32 $0xFFFFFFF0  }
0x2dd: {  	[tilespmem:s3], [sflag:$0x3] =	stream.linear.gather [hbm4b:s0+s4], $0x10, $0x38;
	[tilespmem:$0xC900] =	vst v63  }
0x2de: {  	_ =	swait.ge [sflag:s12], $0x10  }
0x2df: {  	[sflag:s12] =	ssyncset.done $0x0  }
0x2e0: {  	[sflag:s12] =	ssyncadd.s32 $0xFFFFFFF0  }
0x2e1: {  	v3 =	vld [tilespmem:$0x80];
	_ =	sdelay $0x4  }
0x2e2: {  	v58 =	vshrl.u32 v3, $0x3  }
0x2e3: {  	v4 =	vmul.u32 $0xC0, v58  }
0x2e4: {  	v3 =	vand.u32 $0x7, v3  }
0x2e5: {  	v3 =	vor.u32 v3, v4  }
0x2e6: {  	v4 =	vperm.xlane v3, v0;
	_ =	sdelay $0x1  }
0x2e7: {  	v4 =	vadd.s32 v1, v4;
	_ =	sdelay $0x3  }
0x2e8: {  	s8 =	simm.s32 $0x100;
	s0 =	rddreg [dreg:$0x1]  }
0x2e9: {  	[tilespmem:s8], [sflag:$0x1] =	stream.indirect_vreg.gather [hbm4b:s0+s4], $0x80, v4, vm0, $0xb8;
	[tilespmem:$0xC900] =	vst v63  }
0x2ea: {  	s31 =	simm.s32 $0x900;
	s8 =	rddreg [dreg:$0x19]  }
0x2eb: {  	[tilespmem:s31], [sflag:$0x1] =	stream.indirect_vreg.gather [hbm4b:s8+s4], $0x80, v4, vm0, $0xb8;
	[tilespmem:$0xC900] =	vst v63  }
0x2ec: {  	s3 =	simm.s32 $0x1100;
	s31 =	rddreg [dreg:$0x1a]  }
0x2ed: {  	[tilespmem:s3], [sflag:$0x1] =	stream.indirect_vreg.gather [hbm4b:s31+s4], $0x80, v4, vm0, $0xb8;
	[tilespmem:$0xC900] =	vst v63  }
0x2ee: {  	s3 =	simm.s32 $0x1900  }
0x2ef: {  	[tilespmem:s3], [sflag:$0x1] =	stream.indirect_vreg.gather [hbm4b:s10+s4], $0x80, v4, vm0, $0xb8;
	[tilespmem:$0xC900] =	vst v63  }
0x2f0: {  	s3 =	simm.s32 $0x2100  }
0x2f1: {  	[tilespmem:s3], [sflag:$0x1] =	stream.indirect_vreg.gather [hbm4b:s11+s4], $0x80, v4, vm0, $0xb8;
	[tilespmem:$0xC900] =	vst v63  }
0x2f2: {  	s3 =	simm.s32 $0x2900  }
0x2f3: {  	[tilespmem:s3], [sflag:$0x1] =	stream.indirect_vreg.gather [hbm4b:s9+s4], $0x80, v4, vm0, $0xb8;
	[tilespmem:$0xC900] =	vst v63  }
0x2f4: {  	s3 =	simm.s32 $0x3100  }
0x2f5: {  	[tilespmem:s3], [sflag:$0x1] =	stream.indirect_vreg.gather [hbm4b:s13+s4], $0x80, v4, vm0, $0xb8;
	[tilespmem:$0xC900] =	vst v63  }
0x2f6: {  	s3 =	simm.s32 $0x3900  }
0x2f7: {  	[tilespmem:s3], [sflag:$0x1] =	stream.indirect_vreg.gather [hbm4b:s14+s4], $0x80, v4, vm0, $0xb8;
	[tilespmem:$0xC900] =	vst v63  }
0x2f8: {  	s3 =	simm.s32 $0x4100  }
0x2f9: {  	[tilespmem:s3], [sflag:$0x1] =	stream.indirect_vreg.gather [hbm4b:s28+s4], $0x80, v4, vm0, $0xb8;
	[tilespmem:$0xC900] =	vst v63  }
0x2fa: {  	v3 =	vperm.xlane v3, v2;
	s3 =	simm.s32 $0x4900  }
0x2fb: {  	[tilespmem:s3], [sflag:$0x1] =	stream.indirect_vreg.gather [hbm4b:s29+s4], $0x80, v4, vm0, $0xb8;
	[tilespmem:$0xC900] =	vst v63  }
0x2fc: {  	v3 =	vadd.s32 v1, v3;
	s3 =	simm.s32 $0x5100  }
0x2fd: {  	[tilespmem:s3], [sflag:$0x1] =	stream.indirect_vreg.gather [hbm4b:s30+s4], $0x80, v4, vm0, $0xb8;
	[tilespmem:$0xC900] =	vst v63  }
0x2fe: {  	s3 =	simm.s32 $0x5900  }
0x2ff: {  	[tilespmem:s3], [sflag:$0x1] =	stream.indirect_vreg.gather [hbm4b:s5+s4], $0x80, v4, vm0, $0xb8;
	[tilespmem:$0xC900] =	vst v63  }
0x300: {  	s3 =	simm.s32 $0x6100  }
0x301: {  	[tilespmem:s3], [sflag:$0x1] =	stream.indirect_vreg.gather [hbm4b:s0+s4], $0x80, v3, vm0, $0xb8;
	[tilespmem:$0xC900] =	vst v63  }
0x302: {  	s3 =	simm.s32 $0x6900  }
0x303: {  	[tilespmem:s3], [sflag:$0x1] =	stream.indirect_vreg.gather [hbm4b:s8+s4], $0x80, v3, vm0, $0xb8;
	[tilespmem:$0xC900] =	vst v63  }
0x304: {  	s8 =	simm.s32 $0x7100  }
0x305: {  	[tilespmem:s8], [sflag:$0x1] =	stream.indirect_vreg.gather [hbm4b:s31+s4], $0x80, v3, vm0, $0xb8;
	[tilespmem:$0xC900] =	vst v63  }
0x306: {  	s1 =	simm.s32 $0x7900  }
0x307: {  	[tilespmem:s1], [sflag:$0x1] =	stream.indirect_vreg.gather [hbm4b:s10+s4], $0x80, v3, vm0, $0xb8;
	[tilespmem:$0xC900] =	vst v63  }
0x308: {  	s3 =	simm.s32 $0x8100  }
0x309: {  	[tilespmem:s3], [sflag:$0x1] =	stream.indirect_vreg.gather [hbm4b:s11+s4], $0x80, v3, vm0, $0xb8;
	[tilespmem:$0xC900] =	vst v63  }
0x30a: {  	s8 =	simm.s32 $0x8900  }
0x30b: {  	[tilespmem:s8], [sflag:$0x1] =	stream.indirect_vreg.gather [hbm4b:s9+s4], $0x80, v3, vm0, $0xb8;
	[tilespmem:$0xC900] =	vst v63  }
0x30c: {  	s1 =	simm.s32 $0x9100  }
0x30d: {  	[tilespmem:s1], [sflag:$0x1] =	stream.indirect_vreg.gather [hbm4b:s13+s4], $0x80, v3, vm0, $0xb8;
	[tilespmem:$0xC900] =	vst v63  }
0x30e: {  	s3 =	simm.s32 $0x9900  }
0x30f: {  	[tilespmem:s3], [sflag:$0x1] =	stream.indirect_vreg.gather [hbm4b:s14+s4], $0x80, v3, vm0, $0xb8;
	[tilespmem:$0xC900] =	vst v63  }
0x310: {  	s8 =	simm.s32 $0xA100  }
0x311: {  	[tilespmem:s8], [sflag:$0x1] =	stream.indirect_vreg.gather [hbm4b:s28+s4], $0x80, v3, vm0, $0xb8;
	[tilespmem:$0xC900] =	vst v63  }
0x312: {  	s1 =	simm.s32 $0xA900  }
0x313: {  	[tilespmem:s1], [sflag:$0x1] =	stream.indirect_vreg.gather [hbm4b:s29+s4], $0x80, v3, vm0, $0xb8;
	[tilespmem:$0xC900] =	vst v63  }
0x314: {  	s3 =	simm.s32 $0xB100  }
0x315: {  	[tilespmem:s3], [sflag:$0x1] =	stream.indirect_vreg.gather [hbm4b:s30+s4], $0x80, v3, vm0, $0xb8;
	[tilespmem:$0xC900] =	vst v63  }
0x316: {  	s0 =	simm.s32 $0x10;
	s8 =	simm.s32 $0xB900  }
0x317: {  	[tilespmem:s8], [sflag:$0x1] =	stream.indirect_vreg.gather [hbm4b:s5+s4], $0x80, v3, vm0, $0xb8;
	[tilespmem:$0xC900] =	vst v63  }
0x318: {  	s1 =	rddreg [dreg:$0x2];
	s3 =	simm.s32 $0x80;
	s8 =	simm.s32 $0xC100  }
0x319: {  	[tilespmem:s8], [sflag:$0x1] =	stream.indirect.gather [hbm4b:s1+s0], $0x80, s3, s0, $0xb8;
	[tilespmem:$0xC900] =	vst v63  }
0x31a: {  	_ =	swait.ge [sflag:s25], $0xC000  }
0x31b: {  	[sflag:s25] =	ssyncset.done $0x0  }
0x31c: {  	[sflag:s25] =	ssyncadd.s32 $0xFFFF4000  }
0x31d: {  	_ =	swait.ge [sflag:s25], $0x800  }
0x31e: {  	[sflag:s25] =	ssyncset.done $0x0  }
0x31f: {  	[sflag:s25] =	ssyncadd.s32 $0xFFFFF800  }
0x320: {  	v3 =	vld [tilespmem:$0x0];
	_ =	sdelay $0x4  }
0x321: {  	v59 =	vshrl.u32 v3, $0x3  }
0x322: {  	v4 =	vmul.u32 $0xC0, v59  }
0x323: {  	v3 =	vand.u32 $0x7, v3  }
0x324: {  	v3 =	vor.u32 v3, v4  }
0x325: {  	v4 =	vperm.xlane v3, v0;
	_ =	sdelay $0x1  }
0x326: {  	v4 =	vadd.s32 v1, v4;
	_ =	sdelay $0x3  }
0x327: {  	s1 =	simm.s32 $0x100  }
0x328: {  	[hbm4b:s7+s4] =	stream.indirect_vreg.scatter [tilespmem:s1], [sflag:$0x2], $0x80, v4, vm0, $0xb8;
	[tilespmem:$0xC900] =	vst v63  }
0x329: {  	s8 =	simm.s32 $0x900  }
0x32a: {  	[hbm4b:s15+s4] =	stream.indirect_vreg.scatter [tilespmem:s8], [sflag:$0x2], $0x80, v4, vm0, $0xb8;
	[tilespmem:$0xC900] =	vst v63  }
0x32b: {  	s1 =	simm.s32 $0x1100  }
0x32c: {  	[hbm4b:s16+s4] =	stream.indirect_vreg.scatter [tilespmem:s1], [sflag:$0x2], $0x80, v4, vm0, $0xb8;
	[tilespmem:$0xC900] =	vst v63  }
0x32d: {  	s8 =	simm.s32 $0x1900  }
0x32e: {  	[hbm4b:s17+s4] =	stream.indirect_vreg.scatter [tilespmem:s8], [sflag:$0x2], $0x80, v4, vm0, $0xb8;
	[tilespmem:$0xC900] =	vst v63  }
0x32f: {  	s1 =	simm.s32 $0x2100  }
0x330: {  	[hbm4b:s18+s4] =	stream.indirect_vreg.scatter [tilespmem:s1], [sflag:$0x2], $0x80, v4, vm0, $0xb8;
	[tilespmem:$0xC900] =	vst v63  }
0x331: {  	s8 =	simm.s32 $0x2900  }
0x332: {  	[hbm4b:s19+s4] =	stream.indirect_vreg.scatter [tilespmem:s8], [sflag:$0x2], $0x80, v4, vm0, $0xb8;
	[tilespmem:$0xC900] =	vst v63  }
0x333: {  	s1 =	simm.s32 $0x3100  }
0x334: {  	[hbm4b:s20+s4] =	stream.indirect_vreg.scatter [tilespmem:s1], [sflag:$0x2], $0x80, v4, vm0, $0xb8;
	[tilespmem:$0xC900] =	vst v63  }
0x335: {  	s8 =	simm.s32 $0x3900  }
0x336: {  	[hbm4b:s21+s4] =	stream.indirect_vreg.scatter [tilespmem:s8], [sflag:$0x2], $0x80, v4, vm0, $0xb8;
	[tilespmem:$0xC900] =	vst v63  }
0x337: {  	s1 =	simm.s32 $0x4100  }
0x338: {  	[hbm4b:s22+s4] =	stream.indirect_vreg.scatter [tilespmem:s1], [sflag:$0x2], $0x80, v4, vm0, $0xb8;
	[tilespmem:$0xC900] =	vst v63  }
0x339: {  	v3 =	vperm.xlane v3, v2;
	s8 =	simm.s32 $0x4900  }
0x33a: {  	[hbm4b:s23+s4] =	stream.indirect_vreg.scatter [tilespmem:s8], [sflag:$0x2], $0x80, v4, vm0, $0xb8;
	[tilespmem:$0xC900] =	vst v63  }
0x33b: {  	v3 =	vadd.s32 v1, v3;
	s1 =	simm.s32 $0x5100  }
0x33c: {  	[hbm4b:s24+s4] =	stream.indirect_vreg.scatter [tilespmem:s1], [sflag:$0x2], $0x80, v4, vm0, $0xb8;
	[tilespmem:$0xC900] =	vst v63  }
0x33d: {  	s8 =	simm.s32 $0x5900  }
0x33e: {  	[hbm4b:s26+s4] =	stream.indirect_vreg.scatter [tilespmem:s8], [sflag:$0x2], $0x80, v4, vm0, $0xb8;
	[tilespmem:$0xC900] =	vst v63  }
0x33f: {  	s1 =	simm.s32 $0x6100  }
0x340: {  	[hbm4b:s7+s4] =	stream.indirect_vreg.scatter [tilespmem:s1], [sflag:$0x2], $0x80, v3, vm0, $0xb8;
	[tilespmem:$0xC900] =	vst v63  }
0x341: {  	s8 =	simm.s32 $0x6900  }
0x342: {  	[hbm4b:s15+s4] =	stream.indirect_vreg.scatter [tilespmem:s8], [sflag:$0x2], $0x80, v3, vm0, $0xb8;
	[tilespmem:$0xC900] =	vst v63  }
0x343: {  	s1 =	simm.s32 $0x7100  }
0x344: {  	[hbm4b:s16+s4] =	stream.indirect_vreg.scatter [tilespmem:s1], [sflag:$0x2], $0x80, v3, vm0, $0xb8;
	[tilespmem:$0xC900] =	vst v63  }
0x345: {  	s8 =	simm.s32 $0x7900  }
0x346: {  	[hbm4b:s17+s4] =	stream.indirect_vreg.scatter [tilespmem:s8], [sflag:$0x2], $0x80, v3, vm0, $0xb8;
	[tilespmem:$0xC900] =	vst v63  }
0x347: {  	s1 =	simm.s32 $0x8100  }
0x348: {  	[hbm4b:s18+s4] =	stream.indirect_vreg.scatter [tilespmem:s1], [sflag:$0x2], $0x80, v3, vm0, $0xb8;
	[tilespmem:$0xC900] =	vst v63  }
0x349: {  	s8 =	simm.s32 $0x8900  }
0x34a: {  	[hbm4b:s19+s4] =	stream.indirect_vreg.scatter [tilespmem:s8], [sflag:$0x2], $0x80, v3, vm0, $0xb8;
	[tilespmem:$0xC900] =	vst v63  }
0x34b: {  	s1 =	simm.s32 $0x9100  }
0x34c: {  	[hbm4b:s20+s4] =	stream.indirect_vreg.scatter [tilespmem:s1], [sflag:$0x2], $0x80, v3, vm0, $0xb8;
	[tilespmem:$0xC900] =	vst v63  }
0x34d: {  	s8 =	simm.s32 $0x9900  }
0x34e: {  	[hbm4b:s21+s4] =	stream.indirect_vreg.scatter [tilespmem:s8], [sflag:$0x2], $0x80, v3, vm0, $0xb8;
	[tilespmem:$0xC900] =	vst v63  }
0x34f: {  	s1 =	simm.s32 $0xA100  }
0x350: {  	[hbm4b:s22+s4] =	stream.indirect_vreg.scatter [tilespmem:s1], [sflag:$0x2], $0x80, v3, vm0, $0xb8;
	[tilespmem:$0xC900] =	vst v63  }
0x351: {  	s8 =	simm.s32 $0xA900  }
0x352: {  	[hbm4b:s23+s4] =	stream.indirect_vreg.scatter [tilespmem:s8], [sflag:$0x2], $0x80, v3, vm0, $0xb8;
	[tilespmem:$0xC900] =	vst v63  }
0x353: {  	s1 =	simm.s32 $0xB100  }
0x354: {  	[hbm4b:s24+s4] =	stream.indirect_vreg.scatter [tilespmem:s1], [sflag:$0x2], $0x80, v3, vm0, $0xb8;
	[tilespmem:$0xC900] =	vst v63  }
0x355: {  	s8 =	simm.s32 $0xB900  }
0x356: {  	[hbm4b:s26+s4] =	stream.indirect_vreg.scatter [tilespmem:s8], [sflag:$0x2], $0x80, v3, vm0, $0xb8;
	[tilespmem:$0xC900] =	vst v63  }
0x357: {  	s1 =	simm.s32 $0x10;
	s8 =	simm.s32 $0xC100  }
0x358: {  	[hbm4b:s2+s1] =	stream.indirect.scatter [tilespmem:s8], [sflag:$0x2], $0x80, s4, s1, $0xb8;
	[tilespmem:$0xC900] =	vst v63  }
0x359: {  	_ =	swait.ge [sflag:s6], $0xC000  }
0x35a: {  	[sflag:s6] =	ssyncset.done $0x0  }
0x35b: {  	[sflag:s6] =	ssyncadd.s32 $0xFFFF4000  }
0x35c: {  	_ =	swait.ge [sflag:s6], $0x800  }
0x35d: {  	[sflag:s6] =	ssyncset.done $0x0  }
0x35e: {  	s8 =	rddreg [dreg:$0x12];
	[sflag:s6] =	ssyncadd.s32 $0xFFFFF800  }
0x35f: {  	[tilespmem:s4], [sflag:$0x3] =	stream.linear.gather [hbm4b:s8+s4], $0x10, $0x38;
	[tilespmem:$0xC900] =	vst v63  }
0x360: {  	_ =	swait.ge [sflag:s12], $0x10  }
0x361: {  	[sflag:s12] =	ssyncset.done $0x0  }
0x362: {  	s3 =	simm.s32 $0x80;
	s0 =	rddreg [dreg:$0x13];
	[sflag:s12] =	ssyncadd.s32 $0xFFFFFFF0  }
0x363: {  	[tilespmem:s3], [sflag:$0x3] =	stream.linear.gather [hbm4b:s0+s4], $0x10, $0x38;
	[tilespmem:$0xC900] =	vst v63  }
0x364: {  	_ =	swait.ge [sflag:s12], $0x10  }
0x365: {  	[sflag:s12] =	ssyncset.done $0x0  }
0x366: {  	[sflag:s12] =	ssyncadd.s32 $0xFFFFFFF0  }
0x367: {  	v3 =	vld [tilespmem:$0x80];
	_ =	sdelay $0x4  }
0x368: {  	v60 =	vshrl.u32 v3, $0x3  }
0x369: {  	v4 =	vmul.u32 $0xC0, v60  }
0x36a: {  	v3 =	vand.u32 $0x7, v3  }
0x36b: {  	v3 =	vor.u32 v3, v4  }
0x36c: {  	v4 =	vperm.xlane v3, v0;
	_ =	sdelay $0x1  }
0x36d: {  	v4 =	vadd.s32 v1, v4;
	_ =	sdelay $0x3  }
0x36e: {  	s8 =	simm.s32 $0x100;
	s0 =	rddreg [dreg:$0x1]  }
0x36f: {  	[tilespmem:s8], [sflag:$0x1] =	stream.indirect_vreg.gather [hbm4b:s0+s4], $0x80, v4, vm0, $0xb8;
	[tilespmem:$0xC900] =	vst v63  }
0x370: {  	s3 =	simm.s32 $0x900;
	s8 =	rddreg [dreg:$0x19]  }
0x371: {  	[tilespmem:s3], [sflag:$0x1] =	stream.indirect_vreg.gather [hbm4b:s8+s4], $0x80, v4, vm0, $0xb8;
	[tilespmem:$0xC900] =	vst v63  }
0x372: {  	s3 =	simm.s32 $0x1100  }
0x373: {  	[tilespmem:s3], [sflag:$0x1] =	stream.indirect_vreg.gather [hbm4b:s31+s4], $0x80, v4, vm0, $0xb8;
	[tilespmem:$0xC900] =	vst v63  }
0x374: {  	s3 =	simm.s32 $0x1900  }
0x375: {  	[tilespmem:s3], [sflag:$0x1] =	stream.indirect_vreg.gather [hbm4b:s10+s4], $0x80, v4, vm0, $0xb8;
	[tilespmem:$0xC900] =	vst v63  }
0x376: {  	s3 =	simm.s32 $0x2100  }
0x377: {  	[tilespmem:s3], [sflag:$0x1] =	stream.indirect_vreg.gather [hbm4b:s11+s4], $0x80, v4, vm0, $0xb8;
	[tilespmem:$0xC900] =	vst v63  }
0x378: {  	s3 =	simm.s32 $0x2900  }
0x379: {  	[tilespmem:s3], [sflag:$0x1] =	stream.indirect_vreg.gather [hbm4b:s9+s4], $0x80, v4, vm0, $0xb8;
	[tilespmem:$0xC900] =	vst v63  }
0x37a: {  	s3 =	simm.s32 $0x3100  }
0x37b: {  	[tilespmem:s3], [sflag:$0x1] =	stream.indirect_vreg.gather [hbm4b:s13+s4], $0x80, v4, vm0, $0xb8;
	[tilespmem:$0xC900] =	vst v63  }
0x37c: {  	s3 =	simm.s32 $0x3900  }
0x37d: {  	[tilespmem:s3], [sflag:$0x1] =	stream.indirect_vreg.gather [hbm4b:s14+s4], $0x80, v4, vm0, $0xb8;
	[tilespmem:$0xC900] =	vst v63  }
0x37e: {  	s3 =	simm.s32 $0x4100  }
0x37f: {  	[tilespmem:s3], [sflag:$0x1] =	stream.indirect_vreg.gather [hbm4b:s28+s4], $0x80, v4, vm0, $0xb8;
	[tilespmem:$0xC900] =	vst v63  }
0x380: {  	v3 =	vperm.xlane v3, v2;
	s3 =	simm.s32 $0x4900  }
0x381: {  	[tilespmem:s3], [sflag:$0x1] =	stream.indirect_vreg.gather [hbm4b:s29+s4], $0x80, v4, vm0, $0xb8;
	[tilespmem:$0xC900] =	vst v63  }
0x382: {  	v3 =	vadd.s32 v1, v3;
	s3 =	simm.s32 $0x5100  }
0x383: {  	[tilespmem:s3], [sflag:$0x1] =	stream.indirect_vreg.gather [hbm4b:s30+s4], $0x80, v4, vm0, $0xb8;
	[tilespmem:$0xC900] =	vst v63  }
0x384: {  	s3 =	simm.s32 $0x5900  }
0x385: {  	[tilespmem:s3], [sflag:$0x1] =	stream.indirect_vreg.gather [hbm4b:s5+s4], $0x80, v4, vm0, $0xb8;
	[tilespmem:$0xC900] =	vst v63  }
0x386: {  	s1 =	simm.s32 $0x6100  }
0x387: {  	[tilespmem:s1], [sflag:$0x1] =	stream.indirect_vreg.gather [hbm4b:s0+s4], $0x80, v3, vm0, $0xb8;
	[tilespmem:$0xC900] =	vst v63  }
0x388: {  	s1 =	simm.s32 $0x6900  }
0x389: {  	[tilespmem:s1], [sflag:$0x1] =	stream.indirect_vreg.gather [hbm4b:s8+s4], $0x80, v3, vm0, $0xb8;
	[tilespmem:$0xC900] =	vst v63  }
0x38a: {  	s3 =	simm.s32 $0x7100  }
0x38b: {  	[tilespmem:s3], [sflag:$0x1] =	stream.indirect_vreg.gather [hbm4b:s31+s4], $0x80, v3, vm0, $0xb8;
	[tilespmem:$0xC900] =	vst v63  }
0x38c: {  	s1 =	simm.s32 $0x7900  }
0x38d: {  	[tilespmem:s1], [sflag:$0x1] =	stream.indirect_vreg.gather [hbm4b:s10+s4], $0x80, v3, vm0, $0xb8;
	[tilespmem:$0xC900] =	vst v63  }
0x38e: {  	s3 =	smov.u32 s31;
	s31 =	simm.s32 $0x8100  }
0x38f: {  	[tilespmem:s31], [sflag:$0x1] =	stream.indirect_vreg.gather [hbm4b:s11+s4], $0x80, v3, vm0, $0xb8;
	[tilespmem:$0xC900] =	vst v63  }
0x390: {  	s1 =	simm.s32 $0x8900  }
0x391: {  	[tilespmem:s1], [sflag:$0x1] =	stream.indirect_vreg.gather [hbm4b:s9+s4], $0x80, v3, vm0, $0xb8;
	[tilespmem:$0xC900] =	vst v63  }
0x392: {  	s10 =	simm.s32 $0x9100  }
0x393: {  	[tilespmem:s10], [sflag:$0x1] =	stream.indirect_vreg.gather [hbm4b:s13+s4], $0x80, v3, vm0, $0xb8;
	[tilespmem:$0xC900] =	vst v63  }
0x394: {  	s31 =	simm.s32 $0x9900  }
0x395: {  	[tilespmem:s31], [sflag:$0x1] =	stream.indirect_vreg.gather [hbm4b:s14+s4], $0x80, v3, vm0, $0xb8;
	[tilespmem:$0xC900] =	vst v63  }
0x396: {  	s1 =	simm.s32 $0xA100  }
0x397: {  	[tilespmem:s1], [sflag:$0x1] =	stream.indirect_vreg.gather [hbm4b:s28+s4], $0x80, v3, vm0, $0xb8;
	[tilespmem:$0xC900] =	vst v63  }
0x398: {  	s10 =	simm.s32 $0xA900  }
0x399: {  	[tilespmem:s10], [sflag:$0x1] =	stream.indirect_vreg.gather [hbm4b:s29+s4], $0x80, v3, vm0, $0xb8;
	[tilespmem:$0xC900] =	vst v63  }
0x39a: {  	s31 =	simm.s32 $0xB100  }
0x39b: {  	[tilespmem:s31], [sflag:$0x1] =	stream.indirect_vreg.gather [hbm4b:s30+s4], $0x80, v3, vm0, $0xb8;
	[tilespmem:$0xC900] =	vst v63  }
0x39c: {  	s0 =	rddreg [dreg:$0x2];
	s1 =	simm.s32 $0xB900  }
0x39d: {  	[tilespmem:s1], [sflag:$0x1] =	stream.indirect_vreg.gather [hbm4b:s5+s4], $0x80, v3, vm0, $0xb8;
	[tilespmem:$0xC900] =	vst v63  }
0x39e: {  	s10 =	simm.s32 $0x10;
	s31 =	simm.s32 $0xC100;
	s1 =	simm.s32 $0x80  }
0x39f: {  	[tilespmem:s31], [sflag:$0x1] =	stream.indirect.gather [hbm4b:s0+s10], $0x80, s1, s10, $0xb8;
	[tilespmem:$0xC900] =	vst v63  }
0x3a0: {  	_ =	swait.ge [sflag:s25], $0xC000  }
0x3a1: {  	[sflag:s25] =	ssyncset.done $0x0  }
0x3a2: {  	[sflag:s25] =	ssyncadd.s32 $0xFFFF4000  }
0x3a3: {  	_ =	swait.ge [sflag:s25], $0x800  }
0x3a4: {  	[sflag:s25] =	ssyncset.done $0x0  }
0x3a5: {  	[sflag:s25] =	ssyncadd.s32 $0xFFFFF800  }
0x3a6: {  	v3 =	vld [tilespmem:$0x0];
	_ =	sdelay $0x4  }
0x3a7: {  	v61 =	vshrl.u32 v3, $0x3  }
0x3a8: {  	v4 =	vmul.u32 $0xC0, v61  }
0x3a9: {  	v3 =	vand.u32 $0x7, v3  }
0x3aa: {  	v3 =	vor.u32 v3, v4  }
0x3ab: {  	v4 =	vperm.xlane v3, v0;
	_ =	sdelay $0x1  }
0x3ac: {  	v4 =	vadd.s32 v1, v4;
	_ =	sdelay $0x3  }
0x3ad: {  	s31 =	simm.s32 $0x100  }
0x3ae: {  	[hbm4b:s7+s4] =	stream.indirect_vreg.scatter [tilespmem:s31], [sflag:$0x2], $0x80, v4, vm0, $0xb8;
	[tilespmem:$0xC900] =	vst v63  }
0x3af: {  	s31 =	simm.s32 $0x900  }
0x3b0: {  	[hbm4b:s15+s4] =	stream.indirect_vreg.scatter [tilespmem:s31], [sflag:$0x2], $0x80, v4, vm0, $0xb8;
	[tilespmem:$0xC900] =	vst v63  }
0x3b1: {  	s31 =	simm.s32 $0x1100  }
0x3b2: {  	[hbm4b:s16+s4] =	stream.indirect_vreg.scatter [tilespmem:s31], [sflag:$0x2], $0x80, v4, vm0, $0xb8;
	[tilespmem:$0xC900] =	vst v63  }
0x3b3: {  	s31 =	simm.s32 $0x1900  }
0x3b4: {  	[hbm4b:s17+s4] =	stream.indirect_vreg.scatter [tilespmem:s31], [sflag:$0x2], $0x80, v4, vm0, $0xb8;
	[tilespmem:$0xC900] =	vst v63  }
0x3b5: {  	s31 =	simm.s32 $0x2100  }
0x3b6: {  	[hbm4b:s18+s4] =	stream.indirect_vreg.scatter [tilespmem:s31], [sflag:$0x2], $0x80, v4, vm0, $0xb8;
	[tilespmem:$0xC900] =	vst v63  }
0x3b7: {  	s31 =	simm.s32 $0x2900  }
0x3b8: {  	[hbm4b:s19+s4] =	stream.indirect_vreg.scatter [tilespmem:s31], [sflag:$0x2], $0x80, v4, vm0, $0xb8;
	[tilespmem:$0xC900] =	vst v63  }
0x3b9: {  	s31 =	simm.s32 $0x3100  }
0x3ba: {  	[hbm4b:s20+s4] =	stream.indirect_vreg.scatter [tilespmem:s31], [sflag:$0x2], $0x80, v4, vm0, $0xb8;
	[tilespmem:$0xC900] =	vst v63  }
0x3bb: {  	s31 =	simm.s32 $0x3900  }
0x3bc: {  	[hbm4b:s21+s4] =	stream.indirect_vreg.scatter [tilespmem:s31], [sflag:$0x2], $0x80, v4, vm0, $0xb8;
	[tilespmem:$0xC900] =	vst v63  }
0x3bd: {  	s31 =	simm.s32 $0x4100  }
0x3be: {  	[hbm4b:s22+s4] =	stream.indirect_vreg.scatter [tilespmem:s31], [sflag:$0x2], $0x80, v4, vm0, $0xb8;
	[tilespmem:$0xC900] =	vst v63  }
0x3bf: {  	v3 =	vperm.xlane v3, v2;
	s31 =	simm.s32 $0x4900  }
0x3c0: {  	[hbm4b:s23+s4] =	stream.indirect_vreg.scatter [tilespmem:s31], [sflag:$0x2], $0x80, v4, vm0, $0xb8;
	[tilespmem:$0xC900] =	vst v63  }
0x3c1: {  	v3 =	vadd.s32 v1, v3;
	s31 =	simm.s32 $0x5100  }
0x3c2: {  	[hbm4b:s24+s4] =	stream.indirect_vreg.scatter [tilespmem:s31], [sflag:$0x2], $0x80, v4, vm0, $0xb8;
	[tilespmem:$0xC900] =	vst v63  }
0x3c3: {  	s31 =	simm.s32 $0x5900  }
0x3c4: {  	[hbm4b:s26+s4] =	stream.indirect_vreg.scatter [tilespmem:s31], [sflag:$0x2], $0x80, v4, vm0, $0xb8;
	[tilespmem:$0xC900] =	vst v63  }
0x3c5: {  	s31 =	simm.s32 $0x6100  }
0x3c6: {  	[hbm4b:s7+s4] =	stream.indirect_vreg.scatter [tilespmem:s31], [sflag:$0x2], $0x80, v3, vm0, $0xb8;
	[tilespmem:$0xC900] =	vst v63  }
0x3c7: {  	s31 =	simm.s32 $0x6900  }
0x3c8: {  	[hbm4b:s15+s4] =	stream.indirect_vreg.scatter [tilespmem:s31], [sflag:$0x2], $0x80, v3, vm0, $0xb8;
	[tilespmem:$0xC900] =	vst v63  }
0x3c9: {  	s31 =	simm.s32 $0x7100  }
0x3ca: {  	[hbm4b:s16+s4] =	stream.indirect_vreg.scatter [tilespmem:s31], [sflag:$0x2], $0x80, v3, vm0, $0xb8;
	[tilespmem:$0xC900] =	vst v63  }
0x3cb: {  	s31 =	simm.s32 $0x7900  }
0x3cc: {  	[hbm4b:s17+s4] =	stream.indirect_vreg.scatter [tilespmem:s31], [sflag:$0x2], $0x80, v3, vm0, $0xb8;
	[tilespmem:$0xC900] =	vst v63  }
0x3cd: {  	s31 =	simm.s32 $0x8100  }
0x3ce: {  	[hbm4b:s18+s4] =	stream.indirect_vreg.scatter [tilespmem:s31], [sflag:$0x2], $0x80, v3, vm0, $0xb8;
	[tilespmem:$0xC900] =	vst v63  }
0x3cf: {  	s31 =	simm.s32 $0x8900  }
0x3d0: {  	[hbm4b:s19+s4] =	stream.indirect_vreg.scatter [tilespmem:s31], [sflag:$0x2], $0x80, v3, vm0, $0xb8;
	[tilespmem:$0xC900] =	vst v63  }
0x3d1: {  	s31 =	simm.s32 $0x9100  }
0x3d2: {  	[hbm4b:s20+s4] =	stream.indirect_vreg.scatter [tilespmem:s31], [sflag:$0x2], $0x80, v3, vm0, $0xb8;
	[tilespmem:$0xC900] =	vst v63  }
0x3d3: {  	s31 =	simm.s32 $0x9900  }
0x3d4: {  	[hbm4b:s21+s4] =	stream.indirect_vreg.scatter [tilespmem:s31], [sflag:$0x2], $0x80, v3, vm0, $0xb8;
	[tilespmem:$0xC900] =	vst v63  }
0x3d5: {  	s31 =	simm.s32 $0xA100  }
0x3d6: {  	[hbm4b:s22+s4] =	stream.indirect_vreg.scatter [tilespmem:s31], [sflag:$0x2], $0x80, v3, vm0, $0xb8;
	[tilespmem:$0xC900] =	vst v63  }
0x3d7: {  	s31 =	simm.s32 $0xA900  }
0x3d8: {  	[hbm4b:s23+s4] =	stream.indirect_vreg.scatter [tilespmem:s31], [sflag:$0x2], $0x80, v3, vm0, $0xb8;
	[tilespmem:$0xC900] =	vst v63  }
0x3d9: {  	s31 =	simm.s32 $0xB100  }
0x3da: {  	[hbm4b:s24+s4] =	stream.indirect_vreg.scatter [tilespmem:s31], [sflag:$0x2], $0x80, v3, vm0, $0xb8;
	[tilespmem:$0xC900] =	vst v63  }
0x3db: {  	s31 =	simm.s32 $0xB900  }
0x3dc: {  	[hbm4b:s26+s4] =	stream.indirect_vreg.scatter [tilespmem:s31], [sflag:$0x2], $0x80, v3, vm0, $0xb8;
	[tilespmem:$0xC900] =	vst v63  }
0x3dd: {  	s10 =	simm.s32 $0x10;
	s1 =	simm.s32 $0xC100  }
0x3de: {  	[hbm4b:s2+s10] =	stream.indirect.scatter [tilespmem:s1], [sflag:$0x2], $0x80, s4, s10, $0xb8;
	[tilespmem:$0xC900] =	vst v63  }
0x3df: {  	_ =	swait.ge [sflag:s6], $0xC000  }
0x3e0: {  	[sflag:s6] =	ssyncset.done $0x0  }
0x3e1: {  	[sflag:s6] =	ssyncadd.s32 $0xFFFF4000  }
0x3e2: {  	_ =	swait.ge [sflag:s6], $0x800  }
0x3e3: {  	[sflag:s6] =	ssyncset.done $0x0  }
0x3e4: {  	s2 =	rddreg [dreg:$0x14];
	[sflag:s6] =	ssyncadd.s32 $0xFFFFF800  }
0x3e5: {  	[tilespmem:s4], [sflag:$0x3] =	stream.linear.gather [hbm4b:s2+s4], $0x10, $0x38;
	[tilespmem:$0xC900] =	vst v63  }
0x3e6: {  	_ =	swait.ge [sflag:s12], $0x10  }
0x3e7: {  	[sflag:s12] =	ssyncset.done $0x0  }
0x3e8: {  	s0 =	simm.s32 $0x80;
	s10 =	rddreg [dreg:$0x15];
	[sflag:s12] =	ssyncadd.s32 $0xFFFFFFF0  }
0x3e9: {  	[tilespmem:s0], [sflag:$0x3] =	stream.linear.gather [hbm4b:s10+s4], $0x10, $0x38;
	[tilespmem:$0xC900] =	vst v63  }
0x3ea: {  	_ =	swait.ge [sflag:s12], $0x10  }
0x3eb: {  	[sflag:s12] =	ssyncset.done $0x0  }
0x3ec: {  	[sflag:s12] =	ssyncadd.s32 $0xFFFFFFF0  }
0x3ed: {  	v3 =	vld [tilespmem:$0x80];
	_ =	sdelay $0x4  }
0x3ee: {  	v62 =	vshrl.u32 v3, $0x3  }
0x3ef: {  	v4 =	vmul.u32 $0xC0, v62  }
0x3f0: {  	v3 =	vand.u32 $0x7, v3  }
0x3f1: {  	v3 =	vor.u32 v3, v4  }
0x3f2: {  	v4 =	vperm.xlane v3, v0;
	_ =	sdelay $0x1  }
0x3f3: {  	v4 =	vadd.s32 v1, v4;
	_ =	sdelay $0x3  }
0x3f4: {  	s31 =	simm.s32 $0x100;
	s0 =	rddreg [dreg:$0x1]  }
0x3f5: {  	[tilespmem:s31], [sflag:$0x1] =	stream.indirect_vreg.gather [hbm4b:s0+s4], $0x80, v4, vm0, $0xb8;
	[tilespmem:$0xC900] =	vst v63  }
0x3f6: {  	s2 =	simm.s32 $0x900  }
0x3f7: {  	[tilespmem:s2], [sflag:$0x1] =	stream.indirect_vreg.gather [hbm4b:s8+s4], $0x80, v4, vm0, $0xb8;
	[tilespmem:$0xC900] =	vst v63  }
0x3f8: {  	s10 =	simm.s32 $0x1100  }
0x3f9: {  	[tilespmem:s10], [sflag:$0x1] =	stream.indirect_vreg.gather [hbm4b:s3+s4], $0x80, v4, vm0, $0xb8;
	[tilespmem:$0xC900] =	vst v63  }
0x3fa: {  	s31 =	simm.s32 $0x1900;
	s2 =	rddreg [dreg:$0x1b]  }
0x3fb: {  	[tilespmem:s31], [sflag:$0x1] =	stream.indirect_vreg.gather [hbm4b:s2+s4], $0x80, v4, vm0, $0xb8;
	[tilespmem:$0xC900] =	vst v63  }
0x3fc: {  	s10 =	simm.s32 $0x2100  }
0x3fd: {  	[tilespmem:s10], [sflag:$0x1] =	stream.indirect_vreg.gather [hbm4b:s11+s4], $0x80, v4, vm0, $0xb8;
	[tilespmem:$0xC900] =	vst v63  }
0x3fe: {  	s31 =	simm.s32 $0x2900  }
0x3ff: {  	[tilespmem:s31], [sflag:$0x1] =	stream.indirect_vreg.gather [hbm4b:s9+s4], $0x80, v4, vm0, $0xb8;
	[tilespmem:$0xC900] =	vst v63  }
0x400: {  	s10 =	simm.s32 $0x3100  }
0x401: {  	[tilespmem:s10], [sflag:$0x1] =	stream.indirect_vreg.gather [hbm4b:s13+s4], $0x80, v4, vm0, $0xb8;
	[tilespmem:$0xC900] =	vst v63  }
0x402: {  	s31 =	simm.s32 $0x3900  }
0x403: {  	[tilespmem:s31], [sflag:$0x1] =	stream.indirect_vreg.gather [hbm4b:s14+s4], $0x80, v4, vm0, $0xb8;
	[tilespmem:$0xC900] =	vst v63  }
0x404: {  	s10 =	simm.s32 $0x4100  }
0x405: {  	[tilespmem:s10], [sflag:$0x1] =	stream.indirect_vreg.gather [hbm4b:s28+s4], $0x80, v4, vm0, $0xb8;
	[tilespmem:$0xC900] =	vst v63  }
0x406: {  	v3 =	vperm.xlane v3, v2;
	s31 =	simm.s32 $0x4900  }
0x407: {  	[tilespmem:s31], [sflag:$0x1] =	stream.indirect_vreg.gather [hbm4b:s29+s4], $0x80, v4, vm0, $0xb8;
	[tilespmem:$0xC900] =	vst v63  }
0x408: {  	v3 =	vadd.s32 v1, v3;
	s10 =	simm.s32 $0x5100  }
0x409: {  	[tilespmem:s10], [sflag:$0x1] =	stream.indirect_vreg.gather [hbm4b:s30+s4], $0x80, v4, vm0, $0xb8;
	[tilespmem:$0xC900] =	vst v63  }
0x40a: {  	s31 =	simm.s32 $0x5900  }
0x40b: {  	[tilespmem:s31], [sflag:$0x1] =	stream.indirect_vreg.gather [hbm4b:s5+s4], $0x80, v4, vm0, $0xb8;
	[tilespmem:$0xC900] =	vst v63  }
0x40c: {  	s31 =	simm.s32 $0x6100  }
0x40d: {  	[tilespmem:s31], [sflag:$0x1] =	stream.indirect_vreg.gather [hbm4b:s0+s4], $0x80, v3, vm0, $0xb8;
	[tilespmem:$0xC900] =	vst v63  }
0x40e: {  	s10 =	simm.s32 $0x6900  }
0x40f: {  	[tilespmem:s10], [sflag:$0x1] =	stream.indirect_vreg.gather [hbm4b:s8+s4], $0x80, v3, vm0, $0xb8;
	[tilespmem:$0xC900] =	vst v63  }
0x410: {  	s10 =	simm.s32 $0x7100  }
0x411: {  	[tilespmem:s10], [sflag:$0x1] =	stream.indirect_vreg.gather [hbm4b:s3+s4], $0x80, v3, vm0, $0xb8;
	[tilespmem:$0xC900] =	vst v63  }
0x412: {  	s1 =	simm.s32 $0x7900  }
0x413: {  	[tilespmem:s1], [sflag:$0x1] =	stream.indirect_vreg.gather [hbm4b:s2+s4], $0x80, v3, vm0, $0xb8;
	[tilespmem:$0xC900] =	vst v63  }
0x414: {  	s3 =	simm.s32 $0x8100  }
0x415: {  	[tilespmem:s3], [sflag:$0x1] =	stream.indirect_vreg.gather [hbm4b:s11+s4], $0x80, v3, vm0, $0xb8;
	[tilespmem:$0xC900] =	vst v63  }
0x416: {  	s1 =	simm.s32 $0x8900  }
0x417: {  	[tilespmem:s1], [sflag:$0x1] =	stream.indirect_vreg.gather [hbm4b:s9+s4], $0x80, v3, vm0, $0xb8;
	[tilespmem:$0xC900] =	vst v63  }
0x418: {  	s11 =	simm.s32 $0x9100  }
0x419: {  	[tilespmem:s11], [sflag:$0x1] =	stream.indirect_vreg.gather [hbm4b:s13+s4], $0x80, v3, vm0, $0xb8;
	[tilespmem:$0xC900] =	vst v63  }
0x41a: {  	s13 =	simm.s32 $0x9900  }
0x41b: {  	[tilespmem:s13], [sflag:$0x1] =	stream.indirect_vreg.gather [hbm4b:s14+s4], $0x80, v3, vm0, $0xb8;
	[tilespmem:$0xC900] =	vst v63  }
0x41c: {  	s14 =	simm.s32 $0xA100  }
0x41d: {  	[tilespmem:s14], [sflag:$0x1] =	stream.indirect_vreg.gather [hbm4b:s28+s4], $0x80, v3, vm0, $0xb8;
	[tilespmem:$0xC900] =	vst v63  }
0x41e: {  	s2 =	simm.s32 $0xA900  }
0x41f: {  	[tilespmem:s2], [sflag:$0x1] =	stream.indirect_vreg.gather [hbm4b:s29+s4], $0x80, v3, vm0, $0xb8;
	[tilespmem:$0xC900] =	vst v63  }
0x420: {  	s28 =	simm.s32 $0xB100  }
0x421: {  	[tilespmem:s28], [sflag:$0x1] =	stream.indirect_vreg.gather [hbm4b:s30+s4], $0x80, v3, vm0, $0xb8;
	[tilespmem:$0xC900] =	vst v63  }
0x422: {  	s8 =	rddreg [dreg:$0x2];
	s29 =	simm.s32 $0xB900  }
0x423: {  	[tilespmem:s29], [sflag:$0x1] =	stream.indirect_vreg.gather [hbm4b:s5+s4], $0x80, v3, vm0, $0xb8;
	[tilespmem:$0xC900] =	vst v63  }
0x424: {  	s3 =	simm.s32 $0xC100;
	s9 =	simm.s32 $0x10;
	s30 =	simm.s32 $0x80  }
0x425: {  	[tilespmem:s3], [sflag:$0x1] =	stream.indirect.gather [hbm4b:s8+s9], $0x80, s30, s9, $0xb8;
	[tilespmem:$0xC900] =	vst v63  }
0x426: {  	s0 =	rddreg [dreg:$0x17];
	_ =	swait.ge [sflag:s25], $0xC000  }
0x427: {  	[sflag:s25] =	ssyncset.done $0x0  }
0x428: {  	[sflag:s25] =	ssyncadd.s32 $0xFFFF4000  }
0x429: {  	_ =	swait.ge [sflag:s25], $0x800  }
0x42a: {  	[sflag:s25] =	ssyncset.done $0x0  }
0x42b: {  	[sflag:s25] =	ssyncadd.s32 $0xFFFFF800  }
0x42c: {  	v3 =	vld [tilespmem:$0x0];
	_ =	sdelay $0x4  }
0x42d: {  	v63 =	vshrl.u32 v3, $0x3  }
0x42e: {  	v4 =	vmul.u32 $0xC0, v63  }
0x42f: {  	v3 =	vand.u32 $0x7, v3  }
0x430: {  	v3 =	vor.u32 v3, v4  }
0x431: {  	v4 =	vperm.xlane v3, v0;
	_ =	sdelay $0x1  }
0x432: {  	v4 =	vadd.s32 v1, v4;
	_ =	sdelay $0x3  }
0x433: {  	s30 =	simm.s32 $0x100  }
0x434: {  	[hbm4b:s7+s4] =	stream.indirect_vreg.scatter [tilespmem:s30], [sflag:$0x2], $0x80, v4, vm0, $0xb8;
	[tilespmem:$0xC900] =	vst v63  }
0x435: {  	s3 =	simm.s32 $0x900  }
0x436: {  	[hbm4b:s15+s4] =	stream.indirect_vreg.scatter [tilespmem:s3], [sflag:$0x2], $0x80, v4, vm0, $0xb8;
	[tilespmem:$0xC900] =	vst v63  }
0x437: {  	s30 =	simm.s32 $0x1100  }
0x438: {  	[hbm4b:s16+s4] =	stream.indirect_vreg.scatter [tilespmem:s30], [sflag:$0x2], $0x80, v4, vm0, $0xb8;
	[tilespmem:$0xC900] =	vst v63  }
0x439: {  	s3 =	simm.s32 $0x1900  }
0x43a: {  	[hbm4b:s17+s4] =	stream.indirect_vreg.scatter [tilespmem:s3], [sflag:$0x2], $0x80, v4, vm0, $0xb8;
	[tilespmem:$0xC900] =	vst v63  }
0x43b: {  	s30 =	simm.s32 $0x2100  }
0x43c: {  	[hbm4b:s18+s4] =	stream.indirect_vreg.scatter [tilespmem:s30], [sflag:$0x2], $0x80, v4, vm0, $0xb8;
	[tilespmem:$0xC900] =	vst v63  }
0x43d: {  	s3 =	simm.s32 $0x2900  }
0x43e: {  	[hbm4b:s19+s4] =	stream.indirect_vreg.scatter [tilespmem:s3], [sflag:$0x2], $0x80, v4, vm0, $0xb8;
	[tilespmem:$0xC900] =	vst v63  }
0x43f: {  	s30 =	simm.s32 $0x3100  }
0x440: {  	[hbm4b:s20+s4] =	stream.indirect_vreg.scatter [tilespmem:s30], [sflag:$0x2], $0x80, v4, vm0, $0xb8;
	[tilespmem:$0xC900] =	vst v63  }
0x441: {  	s3 =	simm.s32 $0x3900  }
0x442: {  	[hbm4b:s21+s4] =	stream.indirect_vreg.scatter [tilespmem:s3], [sflag:$0x2], $0x80, v4, vm0, $0xb8;
	[tilespmem:$0xC900] =	vst v63  }
0x443: {  	s30 =	simm.s32 $0x4100  }
0x444: {  	[hbm4b:s22+s4] =	stream.indirect_vreg.scatter [tilespmem:s30], [sflag:$0x2], $0x80, v4, vm0, $0xb8;
	[tilespmem:$0xC900] =	vst v63  }
0x445: {  	v3 =	vperm.xlane v3, v2;
	s3 =	simm.s32 $0x4900  }
0x446: {  	[hbm4b:s23+s4] =	stream.indirect_vreg.scatter [tilespmem:s3], [sflag:$0x2], $0x80, v4, vm0, $0xb8;
	[tilespmem:$0xC900] =	vst v63  }
0x447: {  	v3 =	vadd.s32 v1, v3;
	s30 =	simm.s32 $0x5100  }
0x448: {  	[hbm4b:s24+s4] =	stream.indirect_vreg.scatter [tilespmem:s30], [sflag:$0x2], $0x80, v4, vm0, $0xb8;
	[tilespmem:$0xC900] =	vst v63  }
0x449: {  	s3 =	simm.s32 $0x5900  }
0x44a: {  	[hbm4b:s26+s4] =	stream.indirect_vreg.scatter [tilespmem:s3], [sflag:$0x2], $0x80, v4, vm0, $0xb8;
	[tilespmem:$0xC900] =	vst v63  }
0x44b: {  	_ = 	snop  }
0x44c: {  	[hbm4b:s7+s4] =	stream.indirect_vreg.scatter [tilespmem:s31], [sflag:$0x2], $0x80, v3, vm0, $0xb8;
	[tilespmem:$0xC900] =	vst v63  }
0x44d: {  	s9 =	simm.s32 $0x6900  }
0x44e: {  	[hbm4b:s15+s4] =	stream.indirect_vreg.scatter [tilespmem:s9], [sflag:$0x2], $0x80, v3, vm0, $0xb8;
	[tilespmem:$0xC900] =	vst v63  }
0x44f: {  	s15 =	simm.s32 $0x7100  }
0x450: {  	[hbm4b:s16+s4] =	stream.indirect_vreg.scatter [tilespmem:s15], [sflag:$0x2], $0x80, v3, vm0, $0xb8;
	[tilespmem:$0xC900] =	vst v63  }
0x451: {  	s30 =	simm.s32 $0x7900  }
0x452: {  	[hbm4b:s17+s4] =	stream.indirect_vreg.scatter [tilespmem:s30], [sflag:$0x2], $0x80, v3, vm0, $0xb8;
	[tilespmem:$0xC900] =	vst v63  }
0x453: {  	s10 =	simm.s32 $0x8100  }
0x454: {  	[hbm4b:s18+s4] =	stream.indirect_vreg.scatter [tilespmem:s10], [sflag:$0x2], $0x80, v3, vm0, $0xb8;
	[tilespmem:$0xC900] =	vst v63  }
0x455: {  	_ = 	snop  }
0x456: {  	[hbm4b:s19+s4] =	stream.indirect_vreg.scatter [tilespmem:s1], [sflag:$0x2], $0x80, v3, vm0, $0xb8;
	[tilespmem:$0xC900] =	vst v63  }
0x457: {  	_ = 	snop  }
0x458: {  	[hbm4b:s20+s4] =	stream.indirect_vreg.scatter [tilespmem:s11], [sflag:$0x2], $0x80, v3, vm0, $0xb8;
	[tilespmem:$0xC900] =	vst v63  }
0x459: {  	_ = 	snop  }
0x45a: {  	[hbm4b:s21+s4] =	stream.indirect_vreg.scatter [tilespmem:s13], [sflag:$0x2], $0x80, v3, vm0, $0xb8;
	[tilespmem:$0xC900] =	vst v63  }
0x45b: {  	_ = 	snop  }
0x45c: {  	[hbm4b:s22+s4] =	stream.indirect_vreg.scatter [tilespmem:s14], [sflag:$0x2], $0x80, v3, vm0, $0xb8;
	[tilespmem:$0xC900] =	vst v63  }
0x45d: {  	_ = 	snop  }
0x45e: {  	[hbm4b:s23+s4] =	stream.indirect_vreg.scatter [tilespmem:s2], [sflag:$0x2], $0x80, v3, vm0, $0xb8;
	[tilespmem:$0xC900] =	vst v63  }
0x45f: {  	_ = 	snop  }
0x460: {  	[hbm4b:s24+s4] =	stream.indirect_vreg.scatter [tilespmem:s28], [sflag:$0x2], $0x80, v3, vm0, $0xb8;
	[tilespmem:$0xC900] =	vst v63  }
0x461: {  	_ = 	snop  }
0x462: {  	[hbm4b:s26+s4] =	stream.indirect_vreg.scatter [tilespmem:s29], [sflag:$0x2], $0x80, v3, vm0, $0xb8;
	[tilespmem:$0xC900] =	vst v63  }
0x463: {  	s5 =	simm.s32 $0xC100;
	s8 =	simm.s32 $0x10;
	s31 =	rddreg [dreg:$0x16]  }
0x464: {  	[hbm4b:s31+s8] =	stream.indirect.scatter [tilespmem:s5], [sflag:$0x2], $0x80, s4, s8, $0xb8;
	[tilespmem:$0xC900] =	vst v63  }
0x465: {  	p0 =	sne.s32 s0, $0x1;
	_ =	swait.ge [sflag:s6], $0xC000  }
.Ltmp0:
0x466: {  	[sflag:s6] =	ssyncset.done $0x0;
	(pc) =	sbr.rel @p0 .LBB2_1-.Ltmp0, $4  }
0x467: {  	[sflag:s6] =	ssyncadd.s32 $0xFFFF4000  }
0x468: {  	_ =	swait.ge [sflag:s6], $0x800  }
0x469: {  	[sflag:s6] =	ssyncset.done $0x0  }
0x46a: {  	s0 =	sadd.s32 $0xFFFFFFFF, s0;
	[sflag:s6] =	ssyncadd.s32 $0xFFFFF800  }
0x46b: {  	_ =	sfence.sel $0x180000  }
0x46c: {  	[bflag:$0x0] =	sbarrier.arrive $0xFFFF  }
0x46d: {  	_ =	strace $0x90000047  }
0x46e: {  	s0 =	stileid.u32;
	[bflag:$0x2] =	sbarrier.arrive $0xFFFF  }
0x46f: {  	p0 =	sne.s32 s0, $0x0;
	s0 =	rddreg [dreg:$0x5]  }
0x470: {  	s0 =	sadd.s32 @!p0 $0x100000, s0  }
0x471: {  	[sflag:s0] =	ssyncadd.tile.s32 @!p0 $0x1;
	_ =	shalt  }
.Lfunc_end2:
_tile_overlayer_lowered:
.L_overlay_start_2:
0x472: {  	(tag) =	ssettag $0x2  }
0x473: {  	s0 =	rddreg [dreg:$0x0];
	s2 =	stileid.u32  }
0x474: {  	s1 =	rddreg [dreg:$0x1];
	p0 =	sne.s32 s2, $0x0  }
0x475: {  	s3 =	rddreg [dreg:$0x2];
	[bflag:$0x3] =	sbarrier.arrive $0xFFFF;
	s2 =	simm.s32 @!p0 $0x1C03  }
0x476: {  	[timem:s3], [sflag:s2] =	dma.local @!p0 [hbm:s0], s1  }
0x477: {  	s0 =	simm.s32 @!p0 $0x3  }
0x478: {  	_ =	swait.ge @!p0 [sflag:s0], s1  }
0x479: {  	s1 =	ssub.s32 @!p0 $0x0, s1;
	[sflag:s0] =	ssyncset.done @!p0 $0x0  }
0x47a: {  	[sflag:s0] =	ssyncadd.s32 @!p0 s1  }
0x47b: {  	[bflag:$0x3] =	sbarrier.arrive $0xFFFF  }
0x47c: {  	_ =	shalt  }

</sc_bundles>
